<compile_context>
chip_gen: v7x
topology: tpu7x:2x2x1
jax: 0.10.2.dev20260603
libtpu: 0.0.44.dev20260713+nightly
codegen_flags: <defaults>
</compile_context>

<pallas_src>
import jax
import jax.numpy as jnp
from jax import lax
from jax.experimental import pallas as pl
from jax.experimental.pallas import tpu as pltpu
from jax.experimental.pallas import tpu_sc as plsc

N = 10000
D = 128
HOPS = 3
HID = 20
NCLUS = 16

NC = 2
NS = 16
NW = NC * NS
CHUNK = 128
N_PAD = 10240
DUMMY = N
RPT = N_PAD // NS
BLK = 1280
GRID = N_PAD // BLK

_mesh = plsc.VectorSubcoreMesh(core_axis_name="c", subcore_axis_name="s")


def _prelu(x):
    return jnp.where(x > 0, x, 0.25 * x)


def _deg_body(ones_hbm, zeros_hbm, dst_hbm, parts_hbm, acc, dst_v, b0, t0, t1):
    c = lax.axis_index("c")
    s = lax.axis_index("s")
    wid = s * NC + c
    cpt = dst_v.shape[0]
    pltpu.sync_copy(zeros_hbm.at[pl.ds(s * RPT, RPT)],
                    acc.at[pl.ds(s * RPT, RPT)])
    pltpu.sync_copy(ones_hbm.at[pl.ds(0, CHUNK)], b0)
    pltpu.sync_copy(dst_hbm.at[wid], dst_v)
    plsc.subcore_barrier()

    def step(jq, carry):
        j = jq * 2
        d0 = pltpu.async_copy(b0, acc.at[dst_v.at[j]], t0, add=True)
        d1 = pltpu.async_copy(b0, acc.at[dst_v.at[j + 1]], t1, add=True)
        d0.wait()
        d1.wait()
        return carry

    lax.fori_loop(0, cpt // 2, step, 0, unroll=False)

    @pl.when(cpt % 2 == 1)
    def _():
        pltpu.async_copy(b0, acc.at[dst_v.at[cpt - 1]], t0, add=True).wait()

    plsc.subcore_barrier()
    pltpu.sync_copy(acc.at[pl.ds(s * RPT, RPT)],
                    parts_hbm.at[c, pl.ds(s * RPT, RPT)])


def _hop_body(g_hbm, zeros_hbm, src_hbm, dst_hbm, parts_hbm,
              acc, src_v, dst_v, buf, sem):
    c = lax.axis_index("c")
    s = lax.axis_index("s")
    wid = s * NC + c
    cpt = src_v.shape[0]

    @pl.when(c == 0)
    def _():
        pltpu.sync_copy(g_hbm.at[pl.ds(s * RPT, RPT)], acc.at[pl.ds(s * RPT, RPT)])

    @pl.when(c != 0)
    def _():
        pltpu.sync_copy(zeros_hbm.at[pl.ds(s * RPT, RPT)],
                        acc.at[pl.ds(s * RPT, RPT)])

    pltpu.sync_copy(src_hbm.at[wid], src_v)
    pltpu.sync_copy(dst_hbm.at[wid], dst_v)
    plsc.subcore_barrier()

    def step(j, carry):
        pltpu.async_copy(g_hbm.at[src_v.at[j]], buf, sem).wait()
        pltpu.sync_copy(buf, acc.at[dst_v.at[j]], add=True)
        return carry

    lax.fori_loop(0, cpt, step, 0, unroll=False)
    plsc.subcore_barrier()
    pltpu.sync_copy(acc.at[pl.ds(s * RPT, RPT)],
                    parts_hbm.at[c, pl.ds(s * RPT, RPT)])


def _make_deg(cpt):
    return pl.kernel(
        _deg_body,
        out_type=jax.ShapeDtypeStruct((NC, N_PAD, D), jnp.float32),
        mesh=_mesh,
        scratch_types=[
            pltpu.VMEM_SHARED((N_PAD, D), jnp.float32),
            pltpu.VMEM((cpt, CHUNK), jnp.int32),
            pltpu.VMEM((CHUNK, D), jnp.float32),
            pltpu.SemaphoreType.DMA,
            pltpu.SemaphoreType.DMA,
        ],
    )


def _make_hop(cpt):
    return pl.kernel(
        _hop_body,
        out_type=jax.ShapeDtypeStruct((NC, N_PAD, D), jnp.float32),
        mesh=_mesh,
        scratch_types=[
            pltpu.VMEM_SHARED((N_PAD, D), jnp.float32),
            pltpu.VMEM((cpt, CHUNK), jnp.int32),
            pltpu.VMEM((cpt, CHUNK), jnp.int32),
            pltpu.VMEM((CHUNK, D), jnp.float32),
            pltpu.SemaphoreType.DMA,
        ],
    )


def _norm_body(degp_ref, feat_ref, norm_ref, g0_ref):
    degp = degp_ref[...]
    deg = jnp.sum(degp, axis=(0, 2)) * (1.0 / D)
    nrm = lax.rsqrt(1.0 + deg)
    nb = jnp.broadcast_to(nrm[:, None], (BLK, D))
    norm_ref[...] = nb
    g0_ref[...] = feat_ref[...] * nb


def _combine_body(parts_ref, norm_ref, h_ref, g_ref):
    t = parts_ref[0] + parts_ref[1]
    nb = norm_ref[...]
    h = t * nb
    h_ref[...] = h
    g_ref[...] = h * nb


def _mlp_body(h0_ref, h1_ref, h2_ref, h3_ref,
              w1_ref, b1_ref, w2_ref, b2_ref, w3_ref, b3_ref,
              p1_ref, pb1_ref, p2_ref, pb2_ref, p3_ref, pb3_ref, out_ref):
    hs = (h0_ref, h1_ref, h2_ref, h3_ref)
    acc = jnp.zeros((BLK, D), jnp.float32)
    for i in range(HOPS + 1):
        z = _prelu(jnp.dot(hs[i][...], w1_ref[i],
                           preferred_element_type=jnp.float32) + b1_ref[i])
        z = _prelu(jnp.dot(z, w2_ref[i],
                           preferred_element_type=jnp.float32) + b2_ref[i])
        z = jnp.dot(z, w3_ref[i], preferred_element_type=jnp.float32) + b3_ref[i]
        u = _prelu(z)
        acc = acc + jnp.dot(u, p1_ref[i], preferred_element_type=jnp.float32)
    o = _prelu(acc + pb1_ref[...])
    o = _prelu(jnp.dot(o, p2_ref[...], preferred_element_type=jnp.float32)
               + pb2_ref[...])
    o = jnp.dot(o, p3_ref[...], preferred_element_type=jnp.float32) + pb3_ref[...]
    out_ref[...] = o


def _row_spec(shape):
    nd = len(shape)
    return pl.BlockSpec((shape[0] // GRID,) + shape[1:],
                        lambda i: (i,) + (0,) * (nd - 1))


def _full_spec(shape):
    nd = len(shape)
    return pl.BlockSpec(shape, lambda i: (0,) * nd)


def kernel(features, edge_index, W1, b1, W2, b2, W3, b3, P1, pb1, P2, pb2, P3, pb3):
    E = edge_index.shape[1]
    cpt = -(-E // (NW * CHUNK))
    e_pad = NW * cpt * CHUNK

    src = edge_index[0]
    dst = edge_index[1]
    dst_m = jnp.where(src == dst, DUMMY, dst)
    pad = e_pad - E
    src_p = jnp.concatenate([src, jnp.zeros((pad,), jnp.int32)])
    dst_p = jnp.concatenate([dst_m, jnp.full((pad,), DUMMY, jnp.int32)])
    src3 = src_p.reshape(NW, cpt, CHUNK)
    dst3 = dst_p.reshape(NW, cpt, CHUNK)

    feats_pad = jnp.zeros((N_PAD, D), jnp.float32).at[:N].set(features)
    zeros2d = jnp.zeros((N_PAD, D), jnp.float32)
    ones2d = jnp.ones((N_PAD, D), jnp.float32)

    deg_parts = _make_deg(cpt)(ones2d, zeros2d, dst3)

    norm_b, g = pl.pallas_call(
        _norm_body,
        grid=(GRID,),
        in_specs=[pl.BlockSpec((NC, BLK, D), lambda i: (0, i, 0)),
                  _row_spec((N_PAD, D))],
        out_specs=[_row_spec((N_PAD, D)), _row_spec((N_PAD, D))],
        out_shape=[jax.ShapeDtypeStruct((N_PAD, D), jnp.float32),
                   jax.ShapeDtypeStruct((N_PAD, D), jnp.float32)],
    )(deg_parts, feats_pad)

    hop = _make_hop(cpt)
    combine = pl.pallas_call(
        _combine_body,
        grid=(GRID,),
        in_specs=[pl.BlockSpec((NC, BLK, D), lambda i: (0, i, 0)),
                  _row_spec((N_PAD, D))],
        out_specs=[_row_spec((N_PAD, D)), _row_spec((N_PAD, D))],
        out_shape=[jax.ShapeDtypeStruct((N_PAD, D), jnp.float32),
                   jax.ShapeDtypeStruct((N_PAD, D), jnp.float32)],
    )

    hs = [feats_pad]
    for _ in range(HOPS):
        parts = hop(g, zeros2d, src3, dst3)
        h, g = combine(parts, norm_b)
        hs.append(h)

    W1p = jnp.zeros((HOPS + 1, D, D), jnp.float32).at[:, :, :HID].set(W1)
    b1p = jnp.zeros((HOPS + 1, D), jnp.float32).at[:, :HID].set(b1)
    W2p = jnp.zeros((HOPS + 1, D, D), jnp.float32).at[:, :HID, :HID].set(W2)
    b2p = jnp.zeros((HOPS + 1, D), jnp.float32).at[:, :HID].set(b2)
    W3p = jnp.zeros((HOPS + 1, D, D), jnp.float32).at[:, :HID, :HID].set(W3)
    b3p = jnp.zeros((HOPS + 1, D), jnp.float32).at[:, :HID].set(b3)
    P1p = jnp.zeros((HOPS + 1, D, D), jnp.float32).at[:, :HID, :HID].set(
        P1.reshape(HOPS + 1, HID, HID))
    pb1p = jnp.zeros((1, D), jnp.float32).at[0, :HID].set(pb1)
    P2p = jnp.zeros((D, D), jnp.float32).at[:HID, :HID].set(P2)
    pb2p = jnp.zeros((1, D), jnp.float32).at[0, :HID].set(pb2)
    P3p = jnp.zeros((D, D), jnp.float32).at[:HID, :NCLUS].set(P3)
    pb3p = jnp.zeros((1, D), jnp.float32).at[0, :NCLUS].set(pb3)

    out_pad = pl.pallas_call(
        _mlp_body,
        grid=(GRID,),
        in_specs=[_row_spec((N_PAD, D))] * 4 + [
            _full_spec((HOPS + 1, D, D)), _full_spec((HOPS + 1, D)),
            _full_spec((HOPS + 1, D, D)), _full_spec((HOPS + 1, D)),
            _full_spec((HOPS + 1, D, D)), _full_spec((HOPS + 1, D)),
            _full_spec((HOPS + 1, D, D)), _full_spec((1, D)),
            _full_spec((D, D)), _full_spec((1, D)),
            _full_spec((D, D)), _full_spec((1, D)),
        ],
        out_specs=_row_spec((N_PAD, D)),
        out_shape=jax.ShapeDtypeStruct((N_PAD, D), jnp.float32),
    )(hs[0], hs[1], hs[2], hs[3],
      W1p, b1p, W2p, b2p, W3p, b3p, P1p, pb1p, P2p, pb2p, P3p, pb3p)

    return out_pad[:N, :NCLUS]

# --- scband reference (transcript-rebuilt; emitter-appended) ---
"""Pipeline reference for scband-signwrapper-84533546320061 (READ-ONLY COPY).

The authoritative reference and input builder live on the scoring server;
editing this copy changes nothing except your own understanding.
"""

import jax, jax.numpy as jnp
import numpy as np

N_NODES = 10000
D_FEAT = 128
N_EDGES = 320000
N_HOPS = 3
HIDDEN = 20
N_CLUSTERS = 16


def _prelu(x):
    return jnp.where(x > 0, x, 0.25 * x)


def setup_inputs(seed: int = 0):
    key = jax.random.key(seed)
    ks = jax.random.split(key, 16)
    features = jax.random.normal(ks[0], (N_NODES, D_FEAT), dtype=jnp.float32)
    edge_index = jax.random.randint(ks[1], (2, N_EDGES), 0, N_NODES, dtype=jnp.int32)
    s_in = 1.0 / np.sqrt(D_FEAT)
    s_h = 1.0 / np.sqrt(HIDDEN)
    s_c = 1.0 / np.sqrt((N_HOPS + 1) * HIDDEN)
    W1 = jax.random.normal(ks[2], (N_HOPS + 1, D_FEAT, HIDDEN), dtype=jnp.float32) * s_in
    b1 = jnp.zeros((N_HOPS + 1, HIDDEN), dtype=jnp.float32)
    W2 = jax.random.normal(ks[3], (N_HOPS + 1, HIDDEN, HIDDEN), dtype=jnp.float32) * s_h
    b2 = jnp.zeros((N_HOPS + 1, HIDDEN), dtype=jnp.float32)
    W3 = jax.random.normal(ks[4], (N_HOPS + 1, HIDDEN, HIDDEN), dtype=jnp.float32) * s_h
    b3 = jnp.zeros((N_HOPS + 1, HIDDEN), dtype=jnp.float32)
    P1 = jax.random.normal(ks[5], ((N_HOPS + 1) * HIDDEN, HIDDEN), dtype=jnp.float32) * s_c
    pb1 = jnp.zeros((HIDDEN,), dtype=jnp.float32)
    P2 = jax.random.normal(ks[6], (HIDDEN, HIDDEN), dtype=jnp.float32) * s_h
    pb2 = jnp.zeros((HIDDEN,), dtype=jnp.float32)
    P3 = jax.random.normal(ks[7], (HIDDEN, N_CLUSTERS), dtype=jnp.float32) * s_h
    pb3 = jnp.zeros((N_CLUSTERS,), dtype=jnp.float32)
    return {"features": features, "edge_index": edge_index,
            "W1": W1, "b1": b1, "W2": W2, "b2": b2, "W3": W3, "b3": b3,
            "P1": P1, "pb1": pb1, "P2": P2, "pb2": pb2, "P3": P3, "pb3": pb3}


def reference(features, edge_index, W1, b1, W2, b2, W3, b3, P1, pb1, P2, pb2, P3, pb3):
    # graph.remove_self_loop().add_self_loop()
    src, dst = edge_index[0], edge_index[1]
    keep = src != dst
    loops = jnp.arange(N_NODES, dtype=src.dtype)
    src = jnp.concatenate([src, loops])
    dst = jnp.concatenate([dst, loops])
    w = jnp.concatenate([keep.astype(jnp.float32),
                         jnp.ones((N_NODES,), dtype=jnp.float32)])
    # SIGN preprocess: symmetric-normalized propagation for n_hops
    deg = jnp.zeros((N_NODES,), jnp.float32).at[dst].add(w)
    norm = jnp.maximum(deg, 1.0) ** -0.5
    feats = [features]
    h = features
    for _ in range(N_HOPS):
        h = h * norm[:, None]
        h = jnp.zeros((N_NODES, h.shape[1]), jnp.float32).at[dst].add(h[src] * w[:, None])
        h = h * norm[:, None]
        feats.append(h)
    # SIGN model: per-hop inception FFNs (3 layers, PReLU), concat, project MLP
    hidden = []
    for i in range(N_HOPS + 1):
        z = _prelu(feats[i] @ W1[i] + b1[i])
        z = _prelu(z @ W2[i] + b2[i])
        z = z @ W3[i] + b3[i]
        hidden.append(z)
    out = _prelu(jnp.concatenate(hidden, axis=-1))
    out = _prelu(out @ P1 + pb1)
    out = _prelu(out @ P2 + pb2)
    out = out @ P3 + pb3
    return out

if __name__ == "__main__":
    import jax
    _d = setup_inputs()
    print(jax.jit(kernel)(*tuple(_d.values())))

</pallas_src>

<mosaic_0001>
#map = affine_map<(d0, d1) -> (0, 0)>
#map1 = affine_map<(d0, d1) -> (0, 0, 0)>
module attributes {stable_mosaic.version = 14 : i64} {
  func.func @_deg_body(%arg0: i32, %arg1: i32, %arg2: memref<10240x128xf32, #tpu.memory_space<hbm>>, %arg3: memref<10240x128xf32, #tpu.memory_space<hbm>>, %arg4: memref<32x79x128xi32, #tpu.memory_space<hbm>>, %arg5: memref<2x10240x128xf32, #tpu.memory_space<hbm>>, %arg6: memref<10240x128xf32, #tpu.memory_space<vmem_shared>>, %arg7: memref<79x128xi32, #tpu.memory_space<vmem>>, %arg8: memref<128x128xf32, #tpu.memory_space<vmem>>, %arg9: memref<!tpu.dma_semaphore, #tpu.memory_space<semaphore_mem>>, %arg10: memref<!tpu.dma_semaphore, #tpu.memory_space<semaphore_mem>>) attributes {dimension_semantics = [#tpu.dimension_semantics<core_parallel>, #tpu.dimension_semantics<subcore_parallel>], iteration_bounds = array<i64: 2, 16>, scalar_prefetch = 0 : i64, scratch_operands = 5 : i64, tpu.core_type = #tpu.core_type<sc_vector_subcore>, window_params = [{transform_indices = #map}, {transform_indices = #map}, {transform_indices = #map1}, {transform_indices = #map1}]} {
    %mul3A = arith.constant 2 : i32
    %mul3A_0 = arith.muli %arg1, %mul3A : i32
    %add3A = arith.addi %mul3A_0, %arg0 : i32
    %mul3A_1 = arith.constant 640 : i32
    %mul3A_2 = arith.muli %arg1, %mul3A_1 : i32
    %mul3A_3 = arith.constant 640 : i32
    %mul3A_4 = arith.muli %arg1, %mul3A_3 : i32
    "tpu.region"() ({
      %run_scoped3A = tpu.sem_alloc : memref<!tpu.dma_semaphore, #tpu.memory_space<semaphore_mem>>
      %dma_start3A_27 = arith.constant 0 : i32
      %dma_start3A_28 = tpu.memref_slice %arg6[%mul3A_4, %dma_start3A_27] : memref<10240x128xf32, #tpu.memory_space<vmem_shared>> -> memref<640x128xf32, #tpu.memory_space<vmem_shared>>
      %dma_start3A_29 = arith.constant 0 : i32
      %dma_start3A_30 = tpu.memref_slice %arg3[%mul3A_2, %dma_start3A_29] : memref<10240x128xf32, #tpu.memory_space<hbm>> -> memref<640x128xf32, #tpu.memory_space<hbm>>
      tpu.enqueue_dma source(%dma_start3A_30 : memref<640x128xf32, #tpu.memory_space<hbm>>) target(%dma_start3A_28 : memref<640x128xf32, #tpu.memory_space<vmem_shared>>) target_semaphore(%run_scoped3A : memref<!tpu.dma_semaphore, #tpu.memory_space<semaphore_mem>>)
      %dma_wait3A_31 = arith.constant 0 : i32
      %dma_wait3A_32 = tpu.memref_slice %arg6[%mul3A_4, %dma_wait3A_31] : memref<10240x128xf32, #tpu.memory_space<vmem_shared>> -> memref<640x128xf32, #tpu.memory_space<vmem_shared>>
      %dma_wait3A_33 = arith.constant 0 : i32
      %dma_wait3A_34 = tpu.memref_slice %arg3[%mul3A_2, %dma_wait3A_33] : memref<10240x128xf32, #tpu.memory_space<hbm>> -> memref<640x128xf32, #tpu.memory_space<hbm>>
      tpu.wait_dma2 semaphore(%run_scoped3A : memref<!tpu.dma_semaphore, #tpu.memory_space<semaphore_mem>>) src(%dma_wait3A_34 : memref<640x128xf32, #tpu.memory_space<hbm>>) dst(%dma_wait3A_32 : memref<640x128xf32, #tpu.memory_space<vmem_shared>>)
      tpu.yield
    }) : () -> ()
    "tpu.region"() ({
      %run_scoped3A = tpu.sem_alloc : memref<!tpu.dma_semaphore, #tpu.memory_space<semaphore_mem>>
      %dma_start3A_27 = arith.constant 0 : i32
      %dma_start3A_28 = arith.constant 0 : i32
      %dma_start3A_29 = tpu.memref_slice %arg2[%dma_start3A_27, %dma_start3A_28] : memref<10240x128xf32, #tpu.memory_space<hbm>> -> memref<128x128xf32, #tpu.memory_space<hbm>>
      %dma_start3A_30 = arith.constant 0 : i32
      %dma_start3A_31 = arith.constant 0 : i32
      %dma_start3A_32 = tpu.memref_slice %arg2[%dma_start3A_30, %dma_start3A_31] : memref<10240x128xf32, #tpu.memory_space<hbm>> -> memref<128x128xf32, #tpu.memory_space<hbm>>
      tpu.enqueue_dma source(%dma_start3A_32 : memref<128x128xf32, #tpu.memory_space<hbm>>) target(%arg8 : memref<128x128xf32, #tpu.memory_space<vmem>>) target_semaphore(%run_scoped3A : memref<!tpu.dma_semaphore, #tpu.memory_space<semaphore_mem>>)
      %dma_wait3A_33 = arith.constant 0 : i32
      %dma_wait3A_34 = arith.constant 0 : i32
      %dma_wait3A_35 = tpu.memref_slice %arg2[%dma_wait3A_33, %dma_wait3A_34] : memref<10240x128xf32, #tpu.memory_space<hbm>> -> memref<128x128xf32, #tpu.memory_space<hbm>>
      %dma_wait3A_36 = arith.constant 0 : i32
      %dma_wait3A_37 = arith.constant 0 : i32
      %dma_wait3A_38 = tpu.memref_slice %arg2[%dma_wait3A_36, %dma_wait3A_37] : memref<10240x128xf32, #tpu.memory_space<hbm>> -> memref<128x128xf32, #tpu.memory_space<hbm>>
      tpu.wait_dma2 semaphore(%run_scoped3A : memref<!tpu.dma_semaphore, #tpu.memory_space<semaphore_mem>>) src(%dma_wait3A_38 : memref<128x128xf32, #tpu.memory_space<hbm>>) dst(%arg8 : memref<128x128xf32, #tpu.memory_space<vmem>>)
      tpu.yield
    }) : () -> ()
    "tpu.region"() ({
      %run_scoped3A = tpu.sem_alloc : memref<!tpu.dma_semaphore, #tpu.memory_space<semaphore_mem>>
      %dma_start3A_27 = arith.constant 0 : i32
      %dma_start3A_28 = arith.constant 0 : i32
      %dma_start3A_29 = tpu.memref_slice %arg4[%add3A, %dma_start3A_27, %dma_start3A_28] : memref<32x79x128xi32, #tpu.memory_space<hbm>> -> memref<1x79x128xi32, #tpu.memory_space<hbm>>
      %dma_start3A_30 = tpu.memref_squeeze %dma_start3A_29 : memref<1x79x128xi32, #tpu.memory_space<hbm>> -> memref<79x128xi32, #tpu.memory_space<hbm>>
      %dma_start3A_31 = arith.constant 0 : i32
      %dma_start3A_32 = arith.constant 0 : i32
      %dma_start3A_33 = tpu.memref_slice %arg4[%add3A, %dma_start3A_31, %dma_start3A_32] : memref<32x79x128xi32, #tpu.memory_space<hbm>> -> memref<1x79x128xi32, #tpu.memory_space<hbm>>
      %dma_start3A_34 = tpu.memref_squeeze %dma_start3A_33 : memref<1x79x128xi32, #tpu.memory_space<hbm>> -> memref<79x128xi32, #tpu.memory_space<hbm>>
      tpu.enqueue_dma source(%dma_start3A_34 : memref<79x128xi32, #tpu.memory_space<hbm>>) target(%arg7 : memref<79x128xi32, #tpu.memory_space<vmem>>) target_semaphore(%run_scoped3A : memref<!tpu.dma_semaphore, #tpu.memory_space<semaphore_mem>>)
      %dma_wait3A_35 = arith.constant 0 : i32
      %dma_wait3A_36 = arith.constant 0 : i32
      %dma_wait3A_37 = tpu.memref_slice %arg4[%add3A, %dma_wait3A_35, %dma_wait3A_36] : memref<32x79x128xi32, #tpu.memory_space<hbm>> -> memref<1x79x128xi32, #tpu.memory_space<hbm>>
      %dma_wait3A_38 = tpu.memref_squeeze %dma_wait3A_37 : memref<1x79x128xi32, #tpu.memory_space<hbm>> -> memref<79x128xi32, #tpu.memory_space<hbm>>
      %dma_wait3A_39 = arith.constant 0 : i32
      %dma_wait3A_40 = arith.constant 0 : i32
      %dma_wait3A_41 = tpu.memref_slice %arg4[%add3A, %dma_wait3A_39, %dma_wait3A_40] : memref<32x79x128xi32, #tpu.memory_space<hbm>> -> memref<1x79x128xi32, #tpu.memory_space<hbm>>
      %dma_wait3A_42 = tpu.memref_squeeze %dma_wait3A_41 : memref<1x79x128xi32, #tpu.memory_space<hbm>> -> memref<79x128xi32, #tpu.memory_space<hbm>>
      tpu.wait_dma2 semaphore(%run_scoped3A : memref<!tpu.dma_semaphore, #tpu.memory_space<semaphore_mem>>) src(%dma_wait3A_42 : memref<79x128xi32, #tpu.memory_space<hbm>>) dst(%arg7 : memref<79x128xi32, #tpu.memory_space<vmem>>)
      tpu.yield
    }) : () -> ()
    %barrier3A = arith.constant 0 : index
    tpu.barrier barrier_id(%barrier3A)
    %scan3A = arith.constant 0 : i32
    %scan3A_5 = arith.constant 0 : i32
    %scan3A_6 = arith.constant 39 : i32
    %scan3A_7 = arith.addi %scan3A_5, %scan3A_6 : i32
    %scan3A_8 = arith.constant 1 : i32
    scf.for %scan3A_27 = %scan3A_5 to %scan3A_7 step %scan3A_8  : i32 {
      %mul3A_28 = arith.constant 2 : i32
      %mul3A_29 = arith.muli %scan3A_27, %mul3A_28 : i32
      %dma_start3A_30 = arith.constant 0 : i32
      %dma_start3A_31 = tpu.memref_slice %arg7[%mul3A_29, %dma_start3A_30] : memref<79x128xi32, #tpu.memory_space<vmem>> -> memref<1x128xi32, #tpu.memory_space<vmem>>
      %dma_start3A_32 = tpu.memref_squeeze %dma_start3A_31 : memref<1x128xi32, #tpu.memory_space<vmem>> -> memref<128xi32, #tpu.memory_space<vmem>>
      %dma_start3A_33 = arith.constant 0 : i32
      %dma_start3A_34 = arith.constant 0 : i32
      %dma_start3A_35 = tpu.memref_slice %arg6[%dma_start3A_33, %dma_start3A_34] : memref<10240x128xf32, #tpu.memory_space<vmem_shared>> -> memref<10240x128xf32, #tpu.memory_space<vmem_shared>>
      tpu.enqueue_indirect_dma source(%arg8 : memref<128x128xf32, #tpu.memory_space<vmem>>) target(%dma_start3A_35 : memref<10240x128xf32, #tpu.memory_space<vmem_shared>>) offsets(%dma_start3A_32 : memref<128xi32, #tpu.memory_space<vmem>>) semaphore(%arg9 : memref<!tpu.dma_semaphore, #tpu.memory_space<semaphore_mem>>) {add = true}
      %add3A_36 = arith.constant 1 : i32
      %add3A_37 = arith.addi %mul3A_29, %add3A_36 : i32
      %dma_start3A_38 = arith.constant 0 : i32
      %dma_start3A_39 = tpu.memref_slice %arg7[%add3A_37, %dma_start3A_38] : memref<79x128xi32, #tpu.memory_space<vmem>> -> memref<1x128xi32, #tpu.memory_space<vmem>>
      %dma_start3A_40 = tpu.memref_squeeze %dma_start3A_39 : memref<1x128xi32, #tpu.memory_space<vmem>> -> memref<128xi32, #tpu.memory_space<vmem>>
      %dma_start3A_41 = arith.constant 0 : i32
      %dma_start3A_42 = arith.constant 0 : i32
      %dma_start3A_43 = tpu.memref_slice %arg6[%dma_start3A_41, %dma_start3A_42] : memref<10240x128xf32, #tpu.memory_space<vmem_shared>> -> memref<10240x128xf32, #tpu.memory_space<vmem_shared>>
      tpu.enqueue_indirect_dma source(%arg8 : memref<128x128xf32, #tpu.memory_space<vmem>>) target(%dma_start3A_43 : memref<10240x128xf32, #tpu.memory_space<vmem_shared>>) offsets(%dma_start3A_40 : memref<128xi32, #tpu.memory_space<vmem>>) semaphore(%arg10 : memref<!tpu.dma_semaphore, #tpu.memory_space<semaphore_mem>>) {add = true}
      %dma_wait3A_44 = arith.constant 0 : i32
      %dma_wait3A_45 = tpu.memref_slice %arg7[%mul3A_29, %dma_wait3A_44] : memref<79x128xi32, #tpu.memory_space<vmem>> -> memref<1x128xi32, #tpu.memory_space<vmem>>
      %dma_wait3A_46 = tpu.memref_squeeze %dma_wait3A_45 : memref<1x128xi32, #tpu.memory_space<vmem>> -> memref<128xi32, #tpu.memory_space<vmem>>
      %dma_wait3A_47 = arith.constant 0 : i32
      %dma_wait3A_48 = arith.constant 0 : i32
      %dma_wait3A_49 = tpu.memref_slice %arg6[%dma_wait3A_47, %dma_wait3A_48] : memref<10240x128xf32, #tpu.memory_space<vmem_shared>> -> memref<10240x128xf32, #tpu.memory_space<vmem_shared>>
      tpu.wait_indirect_dma semaphore(%arg9 : memref<!tpu.dma_semaphore, #tpu.memory_space<semaphore_mem>>) src(%arg8 : memref<128x128xf32, #tpu.memory_space<vmem>>) dst(%dma_wait3A_49 : memref<10240x128xf32, #tpu.memory_space<vmem_shared>>)
      %dma_wait3A_50 = arith.constant 0 : i32
      %dma_wait3A_51 = tpu.memref_slice %arg7[%add3A_37, %dma_wait3A_50] : memref<79x128xi32, #tpu.memory_space<vmem>> -> memref<1x128xi32, #tpu.memory_space<vmem>>
      %dma_wait3A_52 = tpu.memref_squeeze %dma_wait3A_51 : memref<1x128xi32, #tpu.memory_space<vmem>> -> memref<128xi32, #tpu.memory_space<vmem>>
      %dma_wait3A_53 = arith.constant 0 : i32
      %dma_wait3A_54 = arith.constant 0 : i32
      %dma_wait3A_55 = tpu.memref_slice %arg6[%dma_wait3A_53, %dma_wait3A_54] : memref<10240x128xf32, #tpu.memory_space<vmem_shared>> -> memref<10240x128xf32, #tpu.memory_space<vmem_shared>>
      tpu.wait_indirect_dma semaphore(%arg10 : memref<!tpu.dma_semaphore, #tpu.memory_space<semaphore_mem>>) src(%arg8 : memref<128x128xf32, #tpu.memory_space<vmem>>) dst(%dma_wait3A_55 : memref<10240x128xf32, #tpu.memory_space<vmem_shared>>)
    }
    %scan3A_9 = arith.constant 39 : i32
    %dma_start3A = arith.constant 78 : i32
    %dma_start3A_10 = arith.constant 0 : i32
    %dma_start3A_11 = tpu.memref_slice %arg7[%dma_start3A, %dma_start3A_10] : memref<79x128xi32, #tpu.memory_space<vmem>> -> memref<1x128xi32, #tpu.memory_space<vmem>>
    %dma_start3A_12 = tpu.memref_squeeze %dma_start3A_11 : memref<1x128xi32, #tpu.memory_space<vmem>> -> memref<128xi32, #tpu.memory_space<vmem>>
    %dma_start3A_13 = arith.constant 0 : i32
    %dma_start3A_14 = arith.constant 0 : i32
    %dma_start3A_15 = tpu.memref_slice %arg6[%dma_start3A_13, %dma_start3A_14] : memref<10240x128xf32, #tpu.memory_space<vmem_shared>> -> memref<10240x128xf32, #tpu.memory_space<vmem_shared>>
    tpu.enqueue_indirect_dma source(%arg8 : memref<128x128xf32, #tpu.memory_space<vmem>>) target(%dma_start3A_15 : memref<10240x128xf32, #tpu.memory_space<vmem_shared>>) offsets(%dma_start3A_12 : memref<128xi32, #tpu.memory_space<vmem>>) semaphore(%arg9 : memref<!tpu.dma_semaphore, #tpu.memory_space<semaphore_mem>>) {add = true}
    %dma_wait3A = arith.constant 78 : i32
    %dma_wait3A_16 = arith.constant 0 : i32
    %dma_wait3A_17 = tpu.memref_slice %arg7[%dma_wait3A, %dma_wait3A_16] : memref<79x128xi32, #tpu.memory_space<vmem>> -> memref<1x128xi32, #tpu.memory_space<vmem>>
    %dma_wait3A_18 = tpu.memref_squeeze %dma_wait3A_17 : memref<1x128xi32, #tpu.memory_space<vmem>> -> memref<128xi32, #tpu.memory_space<vmem>>
    %dma_wait3A_19 = arith.constant 0 : i32
    %dma_wait3A_20 = arith.constant 0 : i32
    %dma_wait3A_21 = tpu.memref_slice %arg6[%dma_wait3A_19, %dma_wait3A_20] : memref<10240x128xf32, #tpu.memory_space<vmem_shared>> -> memref<10240x128xf32, #tpu.memory_space<vmem_shared>>
    tpu.wait_indirect_dma semaphore(%arg9 : memref<!tpu.dma_semaphore, #tpu.memory_space<semaphore_mem>>) src(%arg8 : memref<128x128xf32, #tpu.memory_space<vmem>>) dst(%dma_wait3A_21 : memref<10240x128xf32, #tpu.memory_space<vmem_shared>>)
    %barrier3A_22 = arith.constant 0 : index
    tpu.barrier barrier_id(%barrier3A_22)
    %mul3A_23 = arith.constant 640 : i32
    %mul3A_24 = arith.muli %arg1, %mul3A_23 : i32
    %mul3A_25 = arith.constant 640 : i32
    %mul3A_26 = arith.muli %arg1, %mul3A_25 : i32
    "tpu.region"() ({
      %run_scoped3A = tpu.sem_alloc : memref<!tpu.dma_semaphore, #tpu.memory_space<semaphore_mem>>
      %dma_start3A_27 = arith.constant 0 : i32
      %dma_start3A_28 = tpu.memref_slice %arg5[%arg0, %mul3A_26, %dma_start3A_27] : memref<2x10240x128xf32, #tpu.memory_space<hbm>> -> memref<1x640x128xf32, #tpu.memory_space<hbm>>
      %dma_start3A_29 = tpu.memref_squeeze %dma_start3A_28 : memref<1x640x128xf32, #tpu.memory_space<hbm>> -> memref<640x128xf32, #tpu.memory_space<hbm>>
      %dma_start3A_30 = arith.constant 0 : i32
      %dma_start3A_31 = tpu.memref_slice %arg6[%mul3A_24, %dma_start3A_30] : memref<10240x128xf32, #tpu.memory_space<vmem_shared>> -> memref<640x128xf32, #tpu.memory_space<vmem_shared>>
      tpu.enqueue_dma source(%dma_start3A_31 : memref<640x128xf32, #tpu.memory_space<vmem_shared>>) target(%dma_start3A_29 : memref<640x128xf32, #tpu.memory_space<hbm>>) target_semaphore(%run_scoped3A : memref<!tpu.dma_semaphore, #tpu.memory_space<semaphore_mem>>)
      %dma_wait3A_32 = arith.constant 0 : i32
      %dma_wait3A_33 = tpu.memref_slice %arg5[%arg0, %mul3A_26, %dma_wait3A_32] : memref<2x10240x128xf32, #tpu.memory_space<hbm>> -> memref<1x640x128xf32, #tpu.memory_space<hbm>>
      %dma_wait3A_34 = tpu.memref_squeeze %dma_wait3A_33 : memref<1x640x128xf32, #tpu.memory_space<hbm>> -> memref<640x128xf32, #tpu.memory_space<hbm>>
      %dma_wait3A_35 = arith.constant 0 : i32
      %dma_wait3A_36 = tpu.memref_slice %arg6[%mul3A_24, %dma_wait3A_35] : memref<10240x128xf32, #tpu.memory_space<vmem_shared>> -> memref<640x128xf32, #tpu.memory_space<vmem_shared>>
      tpu.wait_dma2 semaphore(%run_scoped3A : memref<!tpu.dma_semaphore, #tpu.memory_space<semaphore_mem>>) src(%dma_wait3A_36 : memref<640x128xf32, #tpu.memory_space<vmem_shared>>) dst(%dma_wait3A_34 : memref<640x128xf32, #tpu.memory_space<hbm>>)
      tpu.yield
    }) : () -> ()
    return
  }
}

#map = affine_map<(d0, d1) -> (0, 0)>
#map1 = affine_map<(d0, d1) -> (0, 0, 0)>
module attributes {stable_mosaic.version = 14 : i64} {
  func.func @_hop_body(%arg0: i32, %arg1: i32, %arg2: memref<10240x128xf32, #tpu.memory_space<hbm>>, %arg3: memref<10240x128xf32, #tpu.memory_space<hbm>>, %arg4: memref<32x79x128xi32, #tpu.memory_space<hbm>>, %arg5: memref<32x79x128xi32, #tpu.memory_space<hbm>>, %arg6: memref<2x10240x128xf32, #tpu.memory_space<hbm>>, %arg7: memref<10240x128xf32, #tpu.memory_space<vmem_shared>>, %arg8: memref<79x128xi32, #tpu.memory_space<vmem>>, %arg9: memref<79x128xi32, #tpu.memory_space<vmem>>, %arg10: memref<128x128xf32, #tpu.memory_space<vmem>>, %arg11: memref<!tpu.dma_semaphore, #tpu.memory_space<semaphore_mem>>) attributes {dimension_semantics = [#tpu.dimension_semantics<core_parallel>, #tpu.dimension_semantics<subcore_parallel>], iteration_bounds = array<i64: 2, 16>, scalar_prefetch = 0 : i64, scratch_operands = 5 : i64, tpu.core_type = #tpu.core_type<sc_vector_subcore>, window_params = [{transform_indices = #map}, {transform_indices = #map}, {transform_indices = #map1}, {transform_indices = #map1}, {transform_indices = #map1}]} {
    %mul3A = arith.constant 2 : i32
    %mul3A_0 = arith.muli %arg1, %mul3A : i32
    %add3A = arith.addi %mul3A_0, %arg0 : i32
    %eq3A = arith.constant 0 : i32
    %eq3A_1 = arith.cmpi eq, %arg0, %eq3A : i32
    %convert_element_type3A = arith.extui %eq3A_1 : i1 to i32
    %cond3A = arith.constant 0 : i32
    %cond3A_2 = arith.cmpi ne, %convert_element_type3A, %cond3A : i32
    scf.if %cond3A_2 {
      %mul3A_17 = arith.constant 640 : i32
      %mul3A_18 = arith.muli %arg1, %mul3A_17 : i32
      %mul3A_19 = arith.constant 640 : i32
      %mul3A_20 = arith.muli %arg1, %mul3A_19 : i32
      "tpu.region"() ({
        %run_scoped3A = tpu.sem_alloc : memref<!tpu.dma_semaphore, #tpu.memory_space<semaphore_mem>>
        %dma_start3A = arith.constant 0 : i32
        %dma_start3A_21 = tpu.memref_slice %arg7[%mul3A_20, %dma_start3A] : memref<10240x128xf32, #tpu.memory_space<vmem_shared>> -> memref<640x128xf32, #tpu.memory_space<vmem_shared>>
        %dma_start3A_22 = arith.constant 0 : i32
        %dma_start3A_23 = tpu.memref_slice %arg2[%mul3A_18, %dma_start3A_22] : memref<10240x128xf32, #tpu.memory_space<hbm>> -> memref<640x128xf32, #tpu.memory_space<hbm>>
        tpu.enqueue_dma source(%dma_start3A_23 : memref<640x128xf32, #tpu.memory_space<hbm>>) target(%dma_start3A_21 : memref<640x128xf32, #tpu.memory_space<vmem_shared>>) target_semaphore(%run_scoped3A : memref<!tpu.dma_semaphore, #tpu.memory_space<semaphore_mem>>)
        %dma_wait3A = arith.constant 0 : i32
        %dma_wait3A_24 = tpu.memref_slice %arg7[%mul3A_20, %dma_wait3A] : memref<10240x128xf32, #tpu.memory_space<vmem_shared>> -> memref<640x128xf32, #tpu.memory_space<vmem_shared>>
        %dma_wait3A_25 = arith.constant 0 : i32
        %dma_wait3A_26 = tpu.memref_slice %arg2[%mul3A_18, %dma_wait3A_25] : memref<10240x128xf32, #tpu.memory_space<hbm>> -> memref<640x128xf32, #tpu.memory_space<hbm>>
        tpu.wait_dma2 semaphore(%run_scoped3A : memref<!tpu.dma_semaphore, #tpu.memory_space<semaphore_mem>>) src(%dma_wait3A_26 : memref<640x128xf32, #tpu.memory_space<hbm>>) dst(%dma_wait3A_24 : memref<640x128xf32, #tpu.memory_space<vmem_shared>>)
        tpu.yield
      }) : () -> ()
    } else {
    }
    %ne3A = arith.constant 0 : i32
    %ne3A_3 = arith.cmpi ne, %arg0, %ne3A : i32
    %convert_element_type3A_4 = arith.extui %ne3A_3 : i1 to i32
    %cond3A_5 = arith.constant 0 : i32
    %cond3A_6 = arith.cmpi ne, %convert_element_type3A_4, %cond3A_5 : i32
    scf.if %cond3A_6 {
      %mul3A_17 = arith.constant 640 : i32
      %mul3A_18 = arith.muli %arg1, %mul3A_17 : i32
      %mul3A_19 = arith.constant 640 : i32
      %mul3A_20 = arith.muli %arg1, %mul3A_19 : i32
      "tpu.region"() ({
        %run_scoped3A = tpu.sem_alloc : memref<!tpu.dma_semaphore, #tpu.memory_space<semaphore_mem>>
        %dma_start3A = arith.constant 0 : i32
        %dma_start3A_21 = tpu.memref_slice %arg7[%mul3A_20, %dma_start3A] : memref<10240x128xf32, #tpu.memory_space<vmem_shared>> -> memref<640x128xf32, #tpu.memory_space<vmem_shared>>
        %dma_start3A_22 = arith.constant 0 : i32
        %dma_start3A_23 = tpu.memref_slice %arg3[%mul3A_18, %dma_start3A_22] : memref<10240x128xf32, #tpu.memory_space<hbm>> -> memref<640x128xf32, #tpu.memory_space<hbm>>
        tpu.enqueue_dma source(%dma_start3A_23 : memref<640x128xf32, #tpu.memory_space<hbm>>) target(%dma_start3A_21 : memref<640x128xf32, #tpu.memory_space<vmem_shared>>) target_semaphore(%run_scoped3A : memref<!tpu.dma_semaphore, #tpu.memory_space<semaphore_mem>>)
        %dma_wait3A = arith.constant 0 : i32
        %dma_wait3A_24 = tpu.memref_slice %arg7[%mul3A_20, %dma_wait3A] : memref<10240x128xf32, #tpu.memory_space<vmem_shared>> -> memref<640x128xf32, #tpu.memory_space<vmem_shared>>
        %dma_wait3A_25 = arith.constant 0 : i32
        %dma_wait3A_26 = tpu.memref_slice %arg3[%mul3A_18, %dma_wait3A_25] : memref<10240x128xf32, #tpu.memory_space<hbm>> -> memref<640x128xf32, #tpu.memory_space<hbm>>
        tpu.wait_dma2 semaphore(%run_scoped3A : memref<!tpu.dma_semaphore, #tpu.memory_space<semaphore_mem>>) src(%dma_wait3A_26 : memref<640x128xf32, #tpu.memory_space<hbm>>) dst(%dma_wait3A_24 : memref<640x128xf32, #tpu.memory_space<vmem_shared>>)
        tpu.yield
      }) : () -> ()
    } else {
    }
    "tpu.region"() ({
      %run_scoped3A = tpu.sem_alloc : memref<!tpu.dma_semaphore, #tpu.memory_space<semaphore_mem>>
      %dma_start3A = arith.constant 0 : i32
      %dma_start3A_17 = arith.constant 0 : i32
      %dma_start3A_18 = tpu.memref_slice %arg4[%add3A, %dma_start3A, %dma_start3A_17] : memref<32x79x128xi32, #tpu.memory_space<hbm>> -> memref<1x79x128xi32, #tpu.memory_space<hbm>>
      %dma_start3A_19 = tpu.memref_squeeze %dma_start3A_18 : memref<1x79x128xi32, #tpu.memory_space<hbm>> -> memref<79x128xi32, #tpu.memory_space<hbm>>
      %dma_start3A_20 = arith.constant 0 : i32
      %dma_start3A_21 = arith.constant 0 : i32
      %dma_start3A_22 = tpu.memref_slice %arg4[%add3A, %dma_start3A_20, %dma_start3A_21] : memref<32x79x128xi32, #tpu.memory_space<hbm>> -> memref<1x79x128xi32, #tpu.memory_space<hbm>>
      %dma_start3A_23 = tpu.memref_squeeze %dma_start3A_22 : memref<1x79x128xi32, #tpu.memory_space<hbm>> -> memref<79x128xi32, #tpu.memory_space<hbm>>
      tpu.enqueue_dma source(%dma_start3A_23 : memref<79x128xi32, #tpu.memory_space<hbm>>) target(%arg8 : memref<79x128xi32, #tpu.memory_space<vmem>>) target_semaphore(%run_scoped3A : memref<!tpu.dma_semaphore, #tpu.memory_space<semaphore_mem>>)
      %dma_wait3A = arith.constant 0 : i32
      %dma_wait3A_24 = arith.constant 0 : i32
      %dma_wait3A_25 = tpu.memref_slice %arg4[%add3A, %dma_wait3A, %dma_wait3A_24] : memref<32x79x128xi32, #tpu.memory_space<hbm>> -> memref<1x79x128xi32, #tpu.memory_space<hbm>>
      %dma_wait3A_26 = tpu.memref_squeeze %dma_wait3A_25 : memref<1x79x128xi32, #tpu.memory_space<hbm>> -> memref<79x128xi32, #tpu.memory_space<hbm>>
      %dma_wait3A_27 = arith.constant 0 : i32
      %dma_wait3A_28 = arith.constant 0 : i32
      %dma_wait3A_29 = tpu.memref_slice %arg4[%add3A, %dma_wait3A_27, %dma_wait3A_28] : memref<32x79x128xi32, #tpu.memory_space<hbm>> -> memref<1x79x128xi32, #tpu.memory_space<hbm>>
      %dma_wait3A_30 = tpu.memref_squeeze %dma_wait3A_29 : memref<1x79x128xi32, #tpu.memory_space<hbm>> -> memref<79x128xi32, #tpu.memory_space<hbm>>
      tpu.wait_dma2 semaphore(%run_scoped3A : memref<!tpu.dma_semaphore, #tpu.memory_space<semaphore_mem>>) src(%dma_wait3A_30 : memref<79x128xi32, #tpu.memory_space<hbm>>) dst(%arg8 : memref<79x128xi32, #tpu.memory_space<vmem>>)
      tpu.yield
    }) : () -> ()
    "tpu.region"() ({
      %run_scoped3A = tpu.sem_alloc : memref<!tpu.dma_semaphore, #tpu.memory_space<semaphore_mem>>
      %dma_start3A = arith.constant 0 : i32
      %dma_start3A_17 = arith.constant 0 : i32
      %dma_start3A_18 = tpu.memref_slice %arg5[%add3A, %dma_start3A, %dma_start3A_17] : memref<32x79x128xi32, #tpu.memory_space<hbm>> -> memref<1x79x128xi32, #tpu.memory_space<hbm>>
      %dma_start3A_19 = tpu.memref_squeeze %dma_start3A_18 : memref<1x79x128xi32, #tpu.memory_space<hbm>> -> memref<79x128xi32, #tpu.memory_space<hbm>>
      %dma_start3A_20 = arith.constant 0 : i32
      %dma_start3A_21 = arith.constant 0 : i32
      %dma_start3A_22 = tpu.memref_slice %arg5[%add3A, %dma_start3A_20, %dma_start3A_21] : memref<32x79x128xi32, #tpu.memory_space<hbm>> -> memref<1x79x128xi32, #tpu.memory_space<hbm>>
      %dma_start3A_23 = tpu.memref_squeeze %dma_start3A_22 : memref<1x79x128xi32, #tpu.memory_space<hbm>> -> memref<79x128xi32, #tpu.memory_space<hbm>>
      tpu.enqueue_dma source(%dma_start3A_23 : memref<79x128xi32, #tpu.memory_space<hbm>>) target(%arg9 : memref<79x128xi32, #tpu.memory_space<vmem>>) target_semaphore(%run_scoped3A : memref<!tpu.dma_semaphore, #tpu.memory_space<semaphore_mem>>)
      %dma_wait3A = arith.constant 0 : i32
      %dma_wait3A_24 = arith.constant 0 : i32
      %dma_wait3A_25 = tpu.memref_slice %arg5[%add3A, %dma_wait3A, %dma_wait3A_24] : memref<32x79x128xi32, #tpu.memory_space<hbm>> -> memref<1x79x128xi32, #tpu.memory_space<hbm>>
      %dma_wait3A_26 = tpu.memref_squeeze %dma_wait3A_25 : memref<1x79x128xi32, #tpu.memory_space<hbm>> -> memref<79x128xi32, #tpu.memory_space<hbm>>
      %dma_wait3A_27 = arith.constant 0 : i32
      %dma_wait3A_28 = arith.constant 0 : i32
      %dma_wait3A_29 = tpu.memref_slice %arg5[%add3A, %dma_wait3A_27, %dma_wait3A_28] : memref<32x79x128xi32, #tpu.memory_space<hbm>> -> memref<1x79x128xi32, #tpu.memory_space<hbm>>
      %dma_wait3A_30 = tpu.memref_squeeze %dma_wait3A_29 : memref<1x79x128xi32, #tpu.memory_space<hbm>> -> memref<79x128xi32, #tpu.memory_space<hbm>>
      tpu.wait_dma2 semaphore(%run_scoped3A : memref<!tpu.dma_semaphore, #tpu.memory_space<semaphore_mem>>) src(%dma_wait3A_30 : memref<79x128xi32, #tpu.memory_space<hbm>>) dst(%arg9 : memref<79x128xi32, #tpu.memory_space<vmem>>)
      tpu.yield
    }) : () -> ()
    %barrier3A = arith.constant 0 : index
    tpu.barrier barrier_id(%barrier3A)
    %scan3A = arith.constant 0 : i32
    %scan3A_7 = arith.constant 0 : i32
    %scan3A_8 = arith.constant 79 : i32
    %scan3A_9 = arith.addi %scan3A_7, %scan3A_8 : i32
    %scan3A_10 = arith.constant 1 : i32
    scf.for %scan3A_17 = %scan3A_7 to %scan3A_9 step %scan3A_10  : i32 {
      %dma_start3A = arith.constant 0 : i32
      %dma_start3A_18 = tpu.memref_slice %arg8[%scan3A_17, %dma_start3A] : memref<79x128xi32, #tpu.memory_space<vmem>> -> memref<1x128xi32, #tpu.memory_space<vmem>>
      %dma_start3A_19 = tpu.memref_squeeze %dma_start3A_18 : memref<1x128xi32, #tpu.memory_space<vmem>> -> memref<128xi32, #tpu.memory_space<vmem>>
      %dma_start3A_20 = arith.constant 0 : i32
      %dma_start3A_21 = arith.constant 0 : i32
      %dma_start3A_22 = tpu.memref_slice %arg2[%dma_start3A_20, %dma_start3A_21] : memref<10240x128xf32, #tpu.memory_space<hbm>> -> memref<10240x128xf32, #tpu.memory_space<hbm>>
      tpu.enqueue_indirect_dma source(%dma_start3A_22 : memref<10240x128xf32, #tpu.memory_space<hbm>>) target(%arg10 : memref<128x128xf32, #tpu.memory_space<vmem>>) offsets(%dma_start3A_19 : memref<128xi32, #tpu.memory_space<vmem>>) semaphore(%arg11 : memref<!tpu.dma_semaphore, #tpu.memory_space<semaphore_mem>>)
      %dma_wait3A = arith.constant 0 : i32
      %dma_wait3A_23 = tpu.memref_slice %arg8[%scan3A_17, %dma_wait3A] : memref<79x128xi32, #tpu.memory_space<vmem>> -> memref<1x128xi32, #tpu.memory_space<vmem>>
      %dma_wait3A_24 = tpu.memref_squeeze %dma_wait3A_23 : memref<1x128xi32, #tpu.memory_space<vmem>> -> memref<128xi32, #tpu.memory_space<vmem>>
      %dma_wait3A_25 = arith.constant 0 : i32
      %dma_wait3A_26 = arith.constant 0 : i32
      %dma_wait3A_27 = tpu.memref_slice %arg2[%dma_wait3A_25, %dma_wait3A_26] : memref<10240x128xf32, #tpu.memory_space<hbm>> -> memref<10240x128xf32, #tpu.memory_space<hbm>>
      tpu.wait_indirect_dma semaphore(%arg11 : memref<!tpu.dma_semaphore, #tpu.memory_space<semaphore_mem>>) src(%dma_wait3A_27 : memref<10240x128xf32, #tpu.memory_space<hbm>>) dst(%arg10 : memref<128x128xf32, #tpu.memory_space<vmem>>)
      "tpu.region"() ({
        %run_scoped3A = tpu.sem_alloc : memref<!tpu.dma_semaphore, #tpu.memory_space<semaphore_mem>>
        %dma_start3A_28 = arith.constant 0 : i32
        %dma_start3A_29 = tpu.memref_slice %arg9[%scan3A_17, %dma_start3A_28] : memref<79x128xi32, #tpu.memory_space<vmem>> -> memref<1x128xi32, #tpu.memory_space<vmem>>
        %dma_start3A_30 = tpu.memref_squeeze %dma_start3A_29 : memref<1x128xi32, #tpu.memory_space<vmem>> -> memref<128xi32, #tpu.memory_space<vmem>>
        %dma_start3A_31 = arith.constant 0 : i32
        %dma_start3A_32 = arith.constant 0 : i32
        %dma_start3A_33 = tpu.memref_slice %arg7[%dma_start3A_31, %dma_start3A_32] : memref<10240x128xf32, #tpu.memory_space<vmem_shared>> -> memref<10240x128xf32, #tpu.memory_space<vmem_shared>>
        tpu.enqueue_indirect_dma source(%arg10 : memref<128x128xf32, #tpu.memory_space<vmem>>) target(%dma_start3A_33 : memref<10240x128xf32, #tpu.memory_space<vmem_shared>>) offsets(%dma_start3A_30 : memref<128xi32, #tpu.memory_space<vmem>>) semaphore(%run_scoped3A : memref<!tpu.dma_semaphore, #tpu.memory_space<semaphore_mem>>) {add = true}
        %dma_wait3A_34 = arith.constant 0 : i32
        %dma_wait3A_35 = tpu.memref_slice %arg9[%scan3A_17, %dma_wait3A_34] : memref<79x128xi32, #tpu.memory_space<vmem>> -> memref<1x128xi32, #tpu.memory_space<vmem>>
        %dma_wait3A_36 = tpu.memref_squeeze %dma_wait3A_35 : memref<1x128xi32, #tpu.memory_space<vmem>> -> memref<128xi32, #tpu.memory_space<vmem>>
        %dma_wait3A_37 = arith.constant 0 : i32
        %dma_wait3A_38 = arith.constant 0 : i32
        %dma_wait3A_39 = tpu.memref_slice %arg7[%dma_wait3A_37, %dma_wait3A_38] : memref<10240x128xf32, #tpu.memory_space<vmem_shared>> -> memref<10240x128xf32, #tpu.memory_space<vmem_shared>>
        tpu.wait_indirect_dma semaphore(%run_scoped3A : memref<!tpu.dma_semaphore, #tpu.memory_space<semaphore_mem>>) src(%arg10 : memref<128x128xf32, #tpu.memory_space<vmem>>) dst(%dma_wait3A_39 : memref<10240x128xf32, #tpu.memory_space<vmem_shared>>)
        tpu.yield
      }) : () -> ()
    }
    %scan3A_11 = arith.constant 79 : i32
    %barrier3A_12 = arith.constant 0 : index
    tpu.barrier barrier_id(%barrier3A_12)
    %mul3A_13 = arith.constant 640 : i32
    %mul3A_14 = arith.muli %arg1, %mul3A_13 : i32
    %mul3A_15 = arith.constant 640 : i32
    %mul3A_16 = arith.muli %arg1, %mul3A_15 : i32
    "tpu.region"() ({
      %run_scoped3A = tpu.sem_alloc : memref<!tpu.dma_semaphore, #tpu.memory_space<semaphore_mem>>
      %dma_start3A = arith.constant 0 : i32
      %dma_start3A_17 = tpu.memref_slice %arg6[%arg0, %mul3A_16, %dma_start3A] : memref<2x10240x128xf32, #tpu.memory_space<hbm>> -> memref<1x640x128xf32, #tpu.memory_space<hbm>>
      %dma_start3A_18 = tpu.memref_squeeze %dma_start3A_17 : memref<1x640x128xf32, #tpu.memory_space<hbm>> -> memref<640x128xf32, #tpu.memory_space<hbm>>
      %dma_start3A_19 = arith.constant 0 : i32
      %dma_start3A_20 = tpu.memref_slice %arg7[%mul3A_14, %dma_start3A_19] : memref<10240x128xf32, #tpu.memory_space<vmem_shared>> -> memref<640x128xf32, #tpu.memory_space<vmem_shared>>
      tpu.enqueue_dma source(%dma_start3A_20 : memref<640x128xf32, #tpu.memory_space<vmem_shared>>) target(%dma_start3A_18 : memref<640x128xf32, #tpu.memory_space<hbm>>) target_semaphore(%run_scoped3A : memref<!tpu.dma_semaphore, #tpu.memory_space<semaphore_mem>>)
      %dma_wait3A = arith.constant 0 : i32
      %dma_wait3A_21 = tpu.memref_slice %arg6[%arg0, %mul3A_16, %dma_wait3A] : memref<2x10240x128xf32, #tpu.memory_space<hbm>> -> memref<1x640x128xf32, #tpu.memory_space<hbm>>
      %dma_wait3A_22 = tpu.memref_squeeze %dma_wait3A_21 : memref<1x640x128xf32, #tpu.memory_space<hbm>> -> memref<640x128xf32, #tpu.memory_space<hbm>>
      %dma_wait3A_23 = arith.constant 0 : i32
      %dma_wait3A_24 = tpu.memref_slice %arg7[%mul3A_14, %dma_wait3A_23] : memref<10240x128xf32, #tpu.memory_space<vmem_shared>> -> memref<640x128xf32, #tpu.memory_space<vmem_shared>>
      tpu.wait_dma2 semaphore(%run_scoped3A : memref<!tpu.dma_semaphore, #tpu.memory_space<semaphore_mem>>) src(%dma_wait3A_24 : memref<640x128xf32, #tpu.memory_space<vmem_shared>>) dst(%dma_wait3A_22 : memref<640x128xf32, #tpu.memory_space<hbm>>)
      tpu.yield
    }) : () -> ()
    return
  }
}

#map = affine_map<(d0, d1) -> (0, 0)>
#map1 = affine_map<(d0, d1) -> (0, 0, 0)>
module attributes {stable_mosaic.version = 14 : i64} {
  func.func @_hop_body(%arg0: i32, %arg1: i32, %arg2: memref<10240x128xf32, #tpu.memory_space<hbm>>, %arg3: memref<10240x128xf32, #tpu.memory_space<hbm>>, %arg4: memref<32x79x128xi32, #tpu.memory_space<hbm>>, %arg5: memref<32x79x128xi32, #tpu.memory_space<hbm>>, %arg6: memref<2x10240x128xf32, #tpu.memory_space<hbm>>, %arg7: memref<10240x128xf32, #tpu.memory_space<vmem_shared>>, %arg8: memref<79x128xi32, #tpu.memory_space<vmem>>, %arg9: memref<79x128xi32, #tpu.memory_space<vmem>>, %arg10: memref<128x128xf32, #tpu.memory_space<vmem>>, %arg11: memref<!tpu.dma_semaphore, #tpu.memory_space<semaphore_mem>>) attributes {dimension_semantics = [#tpu.dimension_semantics<core_parallel>, #tpu.dimension_semantics<subcore_parallel>], iteration_bounds = array<i64: 2, 16>, scalar_prefetch = 0 : i64, scratch_operands = 5 : i64, tpu.core_type = #tpu.core_type<sc_vector_subcore>, window_params = [{transform_indices = #map}, {transform_indices = #map}, {transform_indices = #map1}, {transform_indices = #map1}, {transform_indices = #map1}]} {
    %mul3A = arith.constant 2 : i32
    %mul3A_0 = arith.muli %arg1, %mul3A : i32
    %add3A = arith.addi %mul3A_0, %arg0 : i32
    %eq3A = arith.constant 0 : i32
    %eq3A_1 = arith.cmpi eq, %arg0, %eq3A : i32
    %convert_element_type3A = arith.extui %eq3A_1 : i1 to i32
    %cond3A = arith.constant 0 : i32
    %cond3A_2 = arith.cmpi ne, %convert_element_type3A, %cond3A : i32
    scf.if %cond3A_2 {
      %mul3A_17 = arith.constant 640 : i32
      %mul3A_18 = arith.muli %arg1, %mul3A_17 : i32
      %mul3A_19 = arith.constant 640 : i32
      %mul3A_20 = arith.muli %arg1, %mul3A_19 : i32
      "tpu.region"() ({
        %run_scoped3A = tpu.sem_alloc : memref<!tpu.dma_semaphore, #tpu.memory_space<semaphore_mem>>
        %dma_start3A = arith.constant 0 : i32
        %dma_start3A_21 = tpu.memref_slice %arg7[%mul3A_20, %dma_start3A] : memref<10240x128xf32, #tpu.memory_space<vmem_shared>> -> memref<640x128xf32, #tpu.memory_space<vmem_shared>>
        %dma_start3A_22 = arith.constant 0 : i32
        %dma_start3A_23 = tpu.memref_slice %arg2[%mul3A_18, %dma_start3A_22] : memref<10240x128xf32, #tpu.memory_space<hbm>> -> memref<640x128xf32, #tpu.memory_space<hbm>>
        tpu.enqueue_dma source(%dma_start3A_23 : memref<640x128xf32, #tpu.memory_space<hbm>>) target(%dma_start3A_21 : memref<640x128xf32, #tpu.memory_space<vmem_shared>>) target_semaphore(%run_scoped3A : memref<!tpu.dma_semaphore, #tpu.memory_space<semaphore_mem>>)
        %dma_wait3A = arith.constant 0 : i32
        %dma_wait3A_24 = tpu.memref_slice %arg7[%mul3A_20, %dma_wait3A] : memref<10240x128xf32, #tpu.memory_space<vmem_shared>> -> memref<640x128xf32, #tpu.memory_space<vmem_shared>>
        %dma_wait3A_25 = arith.constant 0 : i32
        %dma_wait3A_26 = tpu.memref_slice %arg2[%mul3A_18, %dma_wait3A_25] : memref<10240x128xf32, #tpu.memory_space<hbm>> -> memref<640x128xf32, #tpu.memory_space<hbm>>
        tpu.wait_dma2 semaphore(%run_scoped3A : memref<!tpu.dma_semaphore, #tpu.memory_space<semaphore_mem>>) src(%dma_wait3A_26 : memref<640x128xf32, #tpu.memory_space<hbm>>) dst(%dma_wait3A_24 : memref<640x128xf32, #tpu.memory_space<vmem_shared>>)
        tpu.yield
      }) : () -> ()
    } else {
    }
    %ne3A = arith.constant 0 : i32
    %ne3A_3 = arith.cmpi ne, %arg0, %ne3A : i32
    %convert_element_type3A_4 = arith.extui %ne3A_3 : i1 to i32
    %cond3A_5 = arith.constant 0 : i32
    %cond3A_6 = arith.cmpi ne, %convert_element_type3A_4, %cond3A_5 : i32
    scf.if %cond3A_6 {
      %mul3A_17 = arith.constant 640 : i32
      %mul3A_18 = arith.muli %arg1, %mul3A_17 : i32
      %mul3A_19 = arith.constant 640 : i32
      %mul3A_20 = arith.muli %arg1, %mul3A_19 : i32
      "tpu.region"() ({
        %run_scoped3A = tpu.sem_alloc : memref<!tpu.dma_semaphore, #tpu.memory_space<semaphore_mem>>
        %dma_start3A = arith.constant 0 : i32
        %dma_start3A_21 = tpu.memref_slice %arg7[%mul3A_20, %dma_start3A] : memref<10240x128xf32, #tpu.memory_space<vmem_shared>> -> memref<640x128xf32, #tpu.memory_space<vmem_shared>>
        %dma_start3A_22 = arith.constant 0 : i32
        %dma_start3A_23 = tpu.memref_slice %arg3[%mul3A_18, %dma_start3A_22] : memref<10240x128xf32, #tpu.memory_space<hbm>> -> memref<640x128xf32, #tpu.memory_space<hbm>>
        tpu.enqueue_dma source(%dma_start3A_23 : memref<640x128xf32, #tpu.memory_space<hbm>>) target(%dma_start3A_21 : memref<640x128xf32, #tpu.memory_space<vmem_shared>>) target_semaphore(%run_scoped3A : memref<!tpu.dma_semaphore, #tpu.memory_space<semaphore_mem>>)
        %dma_wait3A = arith.constant 0 : i32
        %dma_wait3A_24 = tpu.memref_slice %arg7[%mul3A_20, %dma_wait3A] : memref<10240x128xf32, #tpu.memory_space<vmem_shared>> -> memref<640x128xf32, #tpu.memory_space<vmem_shared>>
        %dma_wait3A_25 = arith.constant 0 : i32
        %dma_wait3A_26 = tpu.memref_slice %arg3[%mul3A_18, %dma_wait3A_25] : memref<10240x128xf32, #tpu.memory_space<hbm>> -> memref<640x128xf32, #tpu.memory_space<hbm>>
        tpu.wait_dma2 semaphore(%run_scoped3A : memref<!tpu.dma_semaphore, #tpu.memory_space<semaphore_mem>>) src(%dma_wait3A_26 : memref<640x128xf32, #tpu.memory_space<hbm>>) dst(%dma_wait3A_24 : memref<640x128xf32, #tpu.memory_space<vmem_shared>>)
        tpu.yield
      }) : () -> ()
    } else {
    }
    "tpu.region"() ({
      %run_scoped3A = tpu.sem_alloc : memref<!tpu.dma_semaphore, #tpu.memory_space<semaphore_mem>>
      %dma_start3A = arith.constant 0 : i32
      %dma_start3A_17 = arith.constant 0 : i32
      %dma_start3A_18 = tpu.memref_slice %arg4[%add3A, %dma_start3A, %dma_start3A_17] : memref<32x79x128xi32, #tpu.memory_space<hbm>> -> memref<1x79x128xi32, #tpu.memory_space<hbm>>
      %dma_start3A_19 = tpu.memref_squeeze %dma_start3A_18 : memref<1x79x128xi32, #tpu.memory_space<hbm>> -> memref<79x128xi32, #tpu.memory_space<hbm>>
      %dma_start3A_20 = arith.constant 0 : i32
      %dma_start3A_21 = arith.constant 0 : i32
      %dma_start3A_22 = tpu.memref_slice %arg4[%add3A, %dma_start3A_20, %dma_start3A_21] : memref<32x79x128xi32, #tpu.memory_space<hbm>> -> memref<1x79x128xi32, #tpu.memory_space<hbm>>
      %dma_start3A_23 = tpu.memref_squeeze %dma_start3A_22 : memref<1x79x128xi32, #tpu.memory_space<hbm>> -> memref<79x128xi32, #tpu.memory_space<hbm>>
      tpu.enqueue_dma source(%dma_start3A_23 : memref<79x128xi32, #tpu.memory_space<hbm>>) target(%arg8 : memref<79x128xi32, #tpu.memory_space<vmem>>) target_semaphore(%run_scoped3A : memref<!tpu.dma_semaphore, #tpu.memory_space<semaphore_mem>>)
      %dma_wait3A = arith.constant 0 : i32
      %dma_wait3A_24 = arith.constant 0 : i32
      %dma_wait3A_25 = tpu.memref_slice %arg4[%add3A, %dma_wait3A, %dma_wait3A_24] : memref<32x79x128xi32, #tpu.memory_space<hbm>> -> memref<1x79x128xi32, #tpu.memory_space<hbm>>
      %dma_wait3A_26 = tpu.memref_squeeze %dma_wait3A_25 : memref<1x79x128xi32, #tpu.memory_space<hbm>> -> memref<79x128xi32, #tpu.memory_space<hbm>>
      %dma_wait3A_27 = arith.constant 0 : i32
      %dma_wait3A_28 = arith.constant 0 : i32
      %dma_wait3A_29 = tpu.memref_slice %arg4[%add3A, %dma_wait3A_27, %dma_wait3A_28] : memref<32x79x128xi32, #tpu.memory_space<hbm>> -> memref<1x79x128xi32, #tpu.memory_space<hbm>>
      %dma_wait3A_30 = tpu.memref_squeeze %dma_wait3A_29 : memref<1x79x128xi32, #tpu.memory_space<hbm>> -> memref<79x128xi32, #tpu.memory_space<hbm>>
      tpu.wait_dma2 semaphore(%run_scoped3A : memref<!tpu.dma_semaphore, #tpu.memory_space<semaphore_mem>>) src(%dma_wait3A_30 : memref<79x128xi32, #tpu.memory_space<hbm>>) dst(%arg8 : memref<79x128xi32, #tpu.memory_space<vmem>>)
      tpu.yield
    }) : () -> ()
    "tpu.region"() ({
      %run_scoped3A = tpu.sem_alloc : memref<!tpu.dma_semaphore, #tpu.memory_space<semaphore_mem>>
      %dma_start3A = arith.constant 0 : i32
      %dma_start3A_17 = arith.constant 0 : i32
      %dma_start3A_18 = tpu.memref_slice %arg5[%add3A, %dma_start3A, %dma_start3A_17] : memref<32x79x128xi32, #tpu.memory_space<hbm>> -> memref<1x79x128xi32, #tpu.memory_space<hbm>>
      %dma_start3A_19 = tpu.memref_squeeze %dma_start3A_18 : memref<1x79x128xi32, #tpu.memory_space<hbm>> -> memref<79x128xi32, #tpu.memory_space<hbm>>
      %dma_start3A_20 = arith.constant 0 : i32
      %dma_start3A_21 = arith.constant 0 : i32
      %dma_start3A_22 = tpu.memref_slice %arg5[%add3A, %dma_start3A_20, %dma_start3A_21] : memref<32x79x128xi32, #tpu.memory_space<hbm>> -> memref<1x79x128xi32, #tpu.memory_space<hbm>>
      %dma_start3A_23 = tpu.memref_squeeze %dma_start3A_22 : memref<1x79x128xi32, #tpu.memory_space<hbm>> -> memref<79x128xi32, #tpu.memory_space<hbm>>
      tpu.enqueue_dma source(%dma_start3A_23 : memref<79x128xi32, #tpu.memory_space<hbm>>) target(%arg9 : memref<79x128xi32, #tpu.memory_space<vmem>>) target_semaphore(%run_scoped3A : memref<!tpu.dma_semaphore, #tpu.memory_space<semaphore_mem>>)
      %dma_wait3A = arith.constant 0 : i32
      %dma_wait3A_24 = arith.constant 0 : i32
      %dma_wait3A_25 = tpu.memref_slice %arg5[%add3A, %dma_wait3A, %dma_wait3A_24] : memref<32x79x128xi32, #tpu.memory_space<hbm>> -> memref<1x79x128xi32, #tpu.memory_space<hbm>>
      %dma_wait3A_26 = tpu.memref_squeeze %dma_wait3A_25 : memref<1x79x128xi32, #tpu.memory_space<hbm>> -> memref<79x128xi32, #tpu.memory_space<hbm>>
      %dma_wait3A_27 = arith.constant 0 : i32
      %dma_wait3A_28 = arith.constant 0 : i32
      %dma_wait3A_29 = tpu.memref_slice %arg5[%add3A, %dma_wait3A_27, %dma_wait3A_28] : memref<32x79x128xi32, #tpu.memory_space<hbm>> -> memref<1x79x128xi32, #tpu.memory_space<hbm>>
      %dma_wait3A_30 = tpu.memref_squeeze %dma_wait3A_29 : memref<1x79x128xi32, #tpu.memory_space<hbm>> -> memref<79x128xi32, #tpu.memory_space<hbm>>
      tpu.wait_dma2 semaphore(%run_scoped3A : memref<!tpu.dma_semaphore, #tpu.memory_space<semaphore_mem>>) src(%dma_wait3A_30 : memref<79x128xi32, #tpu.memory_space<hbm>>) dst(%arg9 : memref<79x128xi32, #tpu.memory_space<vmem>>)
      tpu.yield
    }) : () -> ()
    %barrier3A = arith.constant 0 : index
    tpu.barrier barrier_id(%barrier3A)
    %scan3A = arith.constant 0 : i32
    %scan3A_7 = arith.constant 0 : i32
    %scan3A_8 = arith.constant 79 : i32
    %scan3A_9 = arith.addi %scan3A_7, %scan3A_8 : i32
    %scan3A_10 = arith.constant 1 : i32
    scf.for %scan3A_17 = %scan3A_7 to %scan3A_9 step %scan3A_10  : i32 {
      %dma_start3A = arith.constant 0 : i32
      %dma_start3A_18 = tpu.memref_slice %arg8[%scan3A_17, %dma_start3A] : memref<79x128xi32, #tpu.memory_space<vmem>> -> memref<1x128xi32, #tpu.memory_space<vmem>>
      %dma_start3A_19 = tpu.memref_squeeze %dma_start3A_18 : memref<1x128xi32, #tpu.memory_space<vmem>> -> memref<128xi32, #tpu.memory_space<vmem>>
      %dma_start3A_20 = arith.constant 0 : i32
      %dma_start3A_21 = arith.constant 0 : i32
      %dma_start3A_22 = tpu.memref_slice %arg2[%dma_start3A_20, %dma_start3A_21] : memref<10240x128xf32, #tpu.memory_space<hbm>> -> memref<10240x128xf32, #tpu.memory_space<hbm>>
      tpu.enqueue_indirect_dma source(%dma_start3A_22 : memref<10240x128xf32, #tpu.memory_space<hbm>>) target(%arg10 : memref<128x128xf32, #tpu.memory_space<vmem>>) offsets(%dma_start3A_19 : memref<128xi32, #tpu.memory_space<vmem>>) semaphore(%arg11 : memref<!tpu.dma_semaphore, #tpu.memory_space<semaphore_mem>>)
      %dma_wait3A = arith.constant 0 : i32
      %dma_wait3A_23 = tpu.memref_slice %arg8[%scan3A_17, %dma_wait3A] : memref<79x128xi32, #tpu.memory_space<vmem>> -> memref<1x128xi32, #tpu.memory_space<vmem>>
      %dma_wait3A_24 = tpu.memref_squeeze %dma_wait3A_23 : memref<1x128xi32, #tpu.memory_space<vmem>> -> memref<128xi32, #tpu.memory_space<vmem>>
      %dma_wait3A_25 = arith.constant 0 : i32
      %dma_wait3A_26 = arith.constant 0 : i32
      %dma_wait3A_27 = tpu.memref_slice %arg2[%dma_wait3A_25, %dma_wait3A_26] : memref<10240x128xf32, #tpu.memory_space<hbm>> -> memref<10240x128xf32, #tpu.memory_space<hbm>>
      tpu.wait_indirect_dma semaphore(%arg11 : memref<!tpu.dma_semaphore, #tpu.memory_space<semaphore_mem>>) src(%dma_wait3A_27 : memref<10240x128xf32, #tpu.memory_space<hbm>>) dst(%arg10 : memref<128x128xf32, #tpu.memory_space<vmem>>)
      "tpu.region"() ({
        %run_scoped3A = tpu.sem_alloc : memref<!tpu.dma_semaphore, #tpu.memory_space<semaphore_mem>>
        %dma_start3A_28 = arith.constant 0 : i32
        %dma_start3A_29 = tpu.memref_slice %arg9[%scan3A_17, %dma_start3A_28] : memref<79x128xi32, #tpu.memory_space<vmem>> -> memref<1x128xi32, #tpu.memory_space<vmem>>
        %dma_start3A_30 = tpu.memref_squeeze %dma_start3A_29 : memref<1x128xi32, #tpu.memory_space<vmem>> -> memref<128xi32, #tpu.memory_space<vmem>>
        %dma_start3A_31 = arith.constant 0 : i32
        %dma_start3A_32 = arith.constant 0 : i32
        %dma_start3A_33 = tpu.memref_slice %arg7[%dma_start3A_31, %dma_start3A_32] : memref<10240x128xf32, #tpu.memory_space<vmem_shared>> -> memref<10240x128xf32, #tpu.memory_space<vmem_shared>>
        tpu.enqueue_indirect_dma source(%arg10 : memref<128x128xf32, #tpu.memory_space<vmem>>) target(%dma_start3A_33 : memref<10240x128xf32, #tpu.memory_space<vmem_shared>>) offsets(%dma_start3A_30 : memref<128xi32, #tpu.memory_space<vmem>>) semaphore(%run_scoped3A : memref<!tpu.dma_semaphore, #tpu.memory_space<semaphore_mem>>) {add = true}
        %dma_wait3A_34 = arith.constant 0 : i32
        %dma_wait3A_35 = tpu.memref_slice %arg9[%scan3A_17, %dma_wait3A_34] : memref<79x128xi32, #tpu.memory_space<vmem>> -> memref<1x128xi32, #tpu.memory_space<vmem>>
        %dma_wait3A_36 = tpu.memref_squeeze %dma_wait3A_35 : memref<1x128xi32, #tpu.memory_space<vmem>> -> memref<128xi32, #tpu.memory_space<vmem>>
        %dma_wait3A_37 = arith.constant 0 : i32
        %dma_wait3A_38 = arith.constant 0 : i32
        %dma_wait3A_39 = tpu.memref_slice %arg7[%dma_wait3A_37, %dma_wait3A_38] : memref<10240x128xf32, #tpu.memory_space<vmem_shared>> -> memref<10240x128xf32, #tpu.memory_space<vmem_shared>>
        tpu.wait_indirect_dma semaphore(%run_scoped3A : memref<!tpu.dma_semaphore, #tpu.memory_space<semaphore_mem>>) src(%arg10 : memref<128x128xf32, #tpu.memory_space<vmem>>) dst(%dma_wait3A_39 : memref<10240x128xf32, #tpu.memory_space<vmem_shared>>)
        tpu.yield
      }) : () -> ()
    }
    %scan3A_11 = arith.constant 79 : i32
    %barrier3A_12 = arith.constant 0 : index
    tpu.barrier barrier_id(%barrier3A_12)
    %mul3A_13 = arith.constant 640 : i32
    %mul3A_14 = arith.muli %arg1, %mul3A_13 : i32
    %mul3A_15 = arith.constant 640 : i32
    %mul3A_16 = arith.muli %arg1, %mul3A_15 : i32
    "tpu.region"() ({
      %run_scoped3A = tpu.sem_alloc : memref<!tpu.dma_semaphore, #tpu.memory_space<semaphore_mem>>
      %dma_start3A = arith.constant 0 : i32
      %dma_start3A_17 = tpu.memref_slice %arg6[%arg0, %mul3A_16, %dma_start3A] : memref<2x10240x128xf32, #tpu.memory_space<hbm>> -> memref<1x640x128xf32, #tpu.memory_space<hbm>>
      %dma_start3A_18 = tpu.memref_squeeze %dma_start3A_17 : memref<1x640x128xf32, #tpu.memory_space<hbm>> -> memref<640x128xf32, #tpu.memory_space<hbm>>
      %dma_start3A_19 = arith.constant 0 : i32
      %dma_start3A_20 = tpu.memref_slice %arg7[%mul3A_14, %dma_start3A_19] : memref<10240x128xf32, #tpu.memory_space<vmem_shared>> -> memref<640x128xf32, #tpu.memory_space<vmem_shared>>
      tpu.enqueue_dma source(%dma_start3A_20 : memref<640x128xf32, #tpu.memory_space<vmem_shared>>) target(%dma_start3A_18 : memref<640x128xf32, #tpu.memory_space<hbm>>) target_semaphore(%run_scoped3A : memref<!tpu.dma_semaphore, #tpu.memory_space<semaphore_mem>>)
      %dma_wait3A = arith.constant 0 : i32
      %dma_wait3A_21 = tpu.memref_slice %arg6[%arg0, %mul3A_16, %dma_wait3A] : memref<2x10240x128xf32, #tpu.memory_space<hbm>> -> memref<1x640x128xf32, #tpu.memory_space<hbm>>
      %dma_wait3A_22 = tpu.memref_squeeze %dma_wait3A_21 : memref<1x640x128xf32, #tpu.memory_space<hbm>> -> memref<640x128xf32, #tpu.memory_space<hbm>>
      %dma_wait3A_23 = arith.constant 0 : i32
      %dma_wait3A_24 = tpu.memref_slice %arg7[%mul3A_14, %dma_wait3A_23] : memref<10240x128xf32, #tpu.memory_space<vmem_shared>> -> memref<640x128xf32, #tpu.memory_space<vmem_shared>>
      tpu.wait_dma2 semaphore(%run_scoped3A : memref<!tpu.dma_semaphore, #tpu.memory_space<semaphore_mem>>) src(%dma_wait3A_24 : memref<640x128xf32, #tpu.memory_space<vmem_shared>>) dst(%dma_wait3A_22 : memref<640x128xf32, #tpu.memory_space<hbm>>)
      tpu.yield
    }) : () -> ()
    return
  }
}

#map = affine_map<(d0, d1) -> (0, 0)>
#map1 = affine_map<(d0, d1) -> (0, 0, 0)>
module attributes {stable_mosaic.version = 14 : i64} {
  func.func @_hop_body(%arg0: i32, %arg1: i32, %arg2: memref<10240x128xf32, #tpu.memory_space<hbm>>, %arg3: memref<10240x128xf32, #tpu.memory_space<hbm>>, %arg4: memref<32x79x128xi32, #tpu.memory_space<hbm>>, %arg5: memref<32x79x128xi32, #tpu.memory_space<hbm>>, %arg6: memref<2x10240x128xf32, #tpu.memory_space<hbm>>, %arg7: memref<10240x128xf32, #tpu.memory_space<vmem_shared>>, %arg8: memref<79x128xi32, #tpu.memory_space<vmem>>, %arg9: memref<79x128xi32, #tpu.memory_space<vmem>>, %arg10: memref<128x128xf32, #tpu.memory_space<vmem>>, %arg11: memref<!tpu.dma_semaphore, #tpu.memory_space<semaphore_mem>>) attributes {dimension_semantics = [#tpu.dimension_semantics<core_parallel>, #tpu.dimension_semantics<subcore_parallel>], iteration_bounds = array<i64: 2, 16>, scalar_prefetch = 0 : i64, scratch_operands = 5 : i64, tpu.core_type = #tpu.core_type<sc_vector_subcore>, window_params = [{transform_indices = #map}, {transform_indices = #map}, {transform_indices = #map1}, {transform_indices = #map1}, {transform_indices = #map1}]} {
    %mul3A = arith.constant 2 : i32
    %mul3A_0 = arith.muli %arg1, %mul3A : i32
    %add3A = arith.addi %mul3A_0, %arg0 : i32
    %eq3A = arith.constant 0 : i32
    %eq3A_1 = arith.cmpi eq, %arg0, %eq3A : i32
    %convert_element_type3A = arith.extui %eq3A_1 : i1 to i32
    %cond3A = arith.constant 0 : i32
    %cond3A_2 = arith.cmpi ne, %convert_element_type3A, %cond3A : i32
    scf.if %cond3A_2 {
      %mul3A_17 = arith.constant 640 : i32
      %mul3A_18 = arith.muli %arg1, %mul3A_17 : i32
      %mul3A_19 = arith.constant 640 : i32
      %mul3A_20 = arith.muli %arg1, %mul3A_19 : i32
      "tpu.region"() ({
        %run_scoped3A = tpu.sem_alloc : memref<!tpu.dma_semaphore, #tpu.memory_space<semaphore_mem>>
        %dma_start3A = arith.constant 0 : i32
        %dma_start3A_21 = tpu.memref_slice %arg7[%mul3A_20, %dma_start3A] : memref<10240x128xf32, #tpu.memory_space<vmem_shared>> -> memref<640x128xf32, #tpu.memory_space<vmem_shared>>
        %dma_start3A_22 = arith.constant 0 : i32
        %dma_start3A_23 = tpu.memref_slice %arg2[%mul3A_18, %dma_start3A_22] : memref<10240x128xf32, #tpu.memory_space<hbm>> -> memref<640x128xf32, #tpu.memory_space<hbm>>
        tpu.enqueue_dma source(%dma_start3A_23 : memref<640x128xf32, #tpu.memory_space<hbm>>) target(%dma_start3A_21 : memref<640x128xf32, #tpu.memory_space<vmem_shared>>) target_semaphore(%run_scoped3A : memref<!tpu.dma_semaphore, #tpu.memory_space<semaphore_mem>>)
        %dma_wait3A = arith.constant 0 : i32
        %dma_wait3A_24 = tpu.memref_slice %arg7[%mul3A_20, %dma_wait3A] : memref<10240x128xf32, #tpu.memory_space<vmem_shared>> -> memref<640x128xf32, #tpu.memory_space<vmem_shared>>
        %dma_wait3A_25 = arith.constant 0 : i32
        %dma_wait3A_26 = tpu.memref_slice %arg2[%mul3A_18, %dma_wait3A_25] : memref<10240x128xf32, #tpu.memory_space<hbm>> -> memref<640x128xf32, #tpu.memory_space<hbm>>
        tpu.wait_dma2 semaphore(%run_scoped3A : memref<!tpu.dma_semaphore, #tpu.memory_space<semaphore_mem>>) src(%dma_wait3A_26 : memref<640x128xf32, #tpu.memory_space<hbm>>) dst(%dma_wait3A_24 : memref<640x128xf32, #tpu.memory_space<vmem_shared>>)
        tpu.yield
      }) : () -> ()
    } else {
    }
    %ne3A = arith.constant 0 : i32
    %ne3A_3 = arith.cmpi ne, %arg0, %ne3A : i32
    %convert_element_type3A_4 = arith.extui %ne3A_3 : i1 to i32
    %cond3A_5 = arith.constant 0 : i32
    %cond3A_6 = arith.cmpi ne, %convert_element_type3A_4, %cond3A_5 : i32
    scf.if %cond3A_6 {
      %mul3A_17 = arith.constant 640 : i32
      %mul3A_18 = arith.muli %arg1, %mul3A_17 : i32
      %mul3A_19 = arith.constant 640 : i32
      %mul3A_20 = arith.muli %arg1, %mul3A_19 : i32
      "tpu.region"() ({
        %run_scoped3A = tpu.sem_alloc : memref<!tpu.dma_semaphore, #tpu.memory_space<semaphore_mem>>
        %dma_start3A = arith.constant 0 : i32
        %dma_start3A_21 = tpu.memref_slice %arg7[%mul3A_20, %dma_start3A] : memref<10240x128xf32, #tpu.memory_space<vmem_shared>> -> memref<640x128xf32, #tpu.memory_space<vmem_shared>>
        %dma_start3A_22 = arith.constant 0 : i32
        %dma_start3A_23 = tpu.memref_slice %arg3[%mul3A_18, %dma_start3A_22] : memref<10240x128xf32, #tpu.memory_space<hbm>> -> memref<640x128xf32, #tpu.memory_space<hbm>>
        tpu.enqueue_dma source(%dma_start3A_23 : memref<640x128xf32, #tpu.memory_space<hbm>>) target(%dma_start3A_21 : memref<640x128xf32, #tpu.memory_space<vmem_shared>>) target_semaphore(%run_scoped3A : memref<!tpu.dma_semaphore, #tpu.memory_space<semaphore_mem>>)
        %dma_wait3A = arith.constant 0 : i32
        %dma_wait3A_24 = tpu.memref_slice %arg7[%mul3A_20, %dma_wait3A] : memref<10240x128xf32, #tpu.memory_space<vmem_shared>> -> memref<640x128xf32, #tpu.memory_space<vmem_shared>>
        %dma_wait3A_25 = arith.constant 0 : i32
        %dma_wait3A_26 = tpu.memref_slice %arg3[%mul3A_18, %dma_wait3A_25] : memref<10240x128xf32, #tpu.memory_space<hbm>> -> memref<640x128xf32, #tpu.memory_space<hbm>>
        tpu.wait_dma2 semaphore(%run_scoped3A : memref<!tpu.dma_semaphore, #tpu.memory_space<semaphore_mem>>) src(%dma_wait3A_26 : memref<640x128xf32, #tpu.memory_space<hbm>>) dst(%dma_wait3A_24 : memref<640x128xf32, #tpu.memory_space<vmem_shared>>)
        tpu.yield
      }) : () -> ()
    } else {
    }
    "tpu.region"() ({
      %run_scoped3A = tpu.sem_alloc : memref<!tpu.dma_semaphore, #tpu.memory_space<semaphore_mem>>
      %dma_start3A = arith.constant 0 : i32
      %dma_start3A_17 = arith.constant 0 : i32
      %dma_start3A_18 = tpu.memref_slice %arg4[%add3A, %dma_start3A, %dma_start3A_17] : memref<32x79x128xi32, #tpu.memory_space<hbm>> -> memref<1x79x128xi32, #tpu.memory_space<hbm>>
      %dma_start3A_19 = tpu.memref_squeeze %dma_start3A_18 : memref<1x79x128xi32, #tpu.memory_space<hbm>> -> memref<79x128xi32, #tpu.memory_space<hbm>>
      %dma_start3A_20 = arith.constant 0 : i32
      %dma_start3A_21 = arith.constant 0 : i32
      %dma_start3A_22 = tpu.memref_slice %arg4[%add3A, %dma_start3A_20, %dma_start3A_21] : memref<32x79x128xi32, #tpu.memory_space<hbm>> -> memref<1x79x128xi32, #tpu.memory_space<hbm>>
      %dma_start3A_23 = tpu.memref_squeeze %dma_start3A_22 : memref<1x79x128xi32, #tpu.memory_space<hbm>> -> memref<79x128xi32, #tpu.memory_space<hbm>>
      tpu.enqueue_dma source(%dma_start3A_23 : memref<79x128xi32, #tpu.memory_space<hbm>>) target(%arg8 : memref<79x128xi32, #tpu.memory_space<vmem>>) target_semaphore(%run_scoped3A : memref<!tpu.dma_semaphore, #tpu.memory_space<semaphore_mem>>)
      %dma_wait3A = arith.constant 0 : i32
      %dma_wait3A_24 = arith.constant 0 : i32
      %dma_wait3A_25 = tpu.memref_slice %arg4[%add3A, %dma_wait3A, %dma_wait3A_24] : memref<32x79x128xi32, #tpu.memory_space<hbm>> -> memref<1x79x128xi32, #tpu.memory_space<hbm>>
      %dma_wait3A_26 = tpu.memref_squeeze %dma_wait3A_25 : memref<1x79x128xi32, #tpu.memory_space<hbm>> -> memref<79x128xi32, #tpu.memory_space<hbm>>
      %dma_wait3A_27 = arith.constant 0 : i32
      %dma_wait3A_28 = arith.constant 0 : i32
      %dma_wait3A_29 = tpu.memref_slice %arg4[%add3A, %dma_wait3A_27, %dma_wait3A_28] : memref<32x79x128xi32, #tpu.memory_space<hbm>> -> memref<1x79x128xi32, #tpu.memory_space<hbm>>
      %dma_wait3A_30 = tpu.memref_squeeze %dma_wait3A_29 : memref<1x79x128xi32, #tpu.memory_space<hbm>> -> memref<79x128xi32, #tpu.memory_space<hbm>>
      tpu.wait_dma2 semaphore(%run_scoped3A : memref<!tpu.dma_semaphore, #tpu.memory_space<semaphore_mem>>) src(%dma_wait3A_30 : memref<79x128xi32, #tpu.memory_space<hbm>>) dst(%arg8 : memref<79x128xi32, #tpu.memory_space<vmem>>)
      tpu.yield
    }) : () -> ()
    "tpu.region"() ({
      %run_scoped3A = tpu.sem_alloc : memref<!tpu.dma_semaphore, #tpu.memory_space<semaphore_mem>>
      %dma_start3A = arith.constant 0 : i32
      %dma_start3A_17 = arith.constant 0 : i32
      %dma_start3A_18 = tpu.memref_slice %arg5[%add3A, %dma_start3A, %dma_start3A_17] : memref<32x79x128xi32, #tpu.memory_space<hbm>> -> memref<1x79x128xi32, #tpu.memory_space<hbm>>
      %dma_start3A_19 = tpu.memref_squeeze %dma_start3A_18 : memref<1x79x128xi32, #tpu.memory_space<hbm>> -> memref<79x128xi32, #tpu.memory_space<hbm>>
      %dma_start3A_20 = arith.constant 0 : i32
      %dma_start3A_21 = arith.constant 0 : i32
      %dma_start3A_22 = tpu.memref_slice %arg5[%add3A, %dma_start3A_20, %dma_start3A_21] : memref<32x79x128xi32, #tpu.memory_space<hbm>> -> memref<1x79x128xi32, #tpu.memory_space<hbm>>
      %dma_start3A_23 = tpu.memref_squeeze %dma_start3A_22 : memref<1x79x128xi32, #tpu.memory_space<hbm>> -> memref<79x128xi32, #tpu.memory_space<hbm>>
      tpu.enqueue_dma source(%dma_start3A_23 : memref<79x128xi32, #tpu.memory_space<hbm>>) target(%arg9 : memref<79x128xi32, #tpu.memory_space<vmem>>) target_semaphore(%run_scoped3A : memref<!tpu.dma_semaphore, #tpu.memory_space<semaphore_mem>>)
      %dma_wait3A = arith.constant 0 : i32
      %dma_wait3A_24 = arith.constant 0 : i32
      %dma_wait3A_25 = tpu.memref_slice %arg5[%add3A, %dma_wait3A, %dma_wait3A_24] : memref<32x79x128xi32, #tpu.memory_space<hbm>> -> memref<1x79x128xi32, #tpu.memory_space<hbm>>
      %dma_wait3A_26 = tpu.memref_squeeze %dma_wait3A_25 : memref<1x79x128xi32, #tpu.memory_space<hbm>> -> memref<79x128xi32, #tpu.memory_space<hbm>>
      %dma_wait3A_27 = arith.constant 0 : i32
      %dma_wait3A_28 = arith.constant 0 : i32
      %dma_wait3A_29 = tpu.memref_slice %arg5[%add3A, %dma_wait3A_27, %dma_wait3A_28] : memref<32x79x128xi32, #tpu.memory_space<hbm>> -> memref<1x79x128xi32, #tpu.memory_space<hbm>>
      %dma_wait3A_30 = tpu.memref_squeeze %dma_wait3A_29 : memref<1x79x128xi32, #tpu.memory_space<hbm>> -> memref<79x128xi32, #tpu.memory_space<hbm>>
      tpu.wait_dma2 semaphore(%run_scoped3A : memref<!tpu.dma_semaphore, #tpu.memory_space<semaphore_mem>>) src(%dma_wait3A_30 : memref<79x128xi32, #tpu.memory_space<hbm>>) dst(%arg9 : memref<79x128xi32, #tpu.memory_space<vmem>>)
      tpu.yield
    }) : () -> ()
    %barrier3A = arith.constant 0 : index
    tpu.barrier barrier_id(%barrier3A)
    %scan3A = arith.constant 0 : i32
    %scan3A_7 = arith.constant 0 : i32
    %scan3A_8 = arith.constant 79 : i32
    %scan3A_9 = arith.addi %scan3A_7, %scan3A_8 : i32
    %scan3A_10 = arith.constant 1 : i32
    scf.for %scan3A_17 = %scan3A_7 to %scan3A_9 step %scan3A_10  : i32 {
      %dma_start3A = arith.constant 0 : i32
      %dma_start3A_18 = tpu.memref_slice %arg8[%scan3A_17, %dma_start3A] : memref<79x128xi32, #tpu.memory_space<vmem>> -> memref<1x128xi32, #tpu.memory_space<vmem>>
      %dma_start3A_19 = tpu.memref_squeeze %dma_start3A_18 : memref<1x128xi32, #tpu.memory_space<vmem>> -> memref<128xi32, #tpu.memory_space<vmem>>
      %dma_start3A_20 = arith.constant 0 : i32
      %dma_start3A_21 = arith.constant 0 : i32
      %dma_start3A_22 = tpu.memref_slice %arg2[%dma_start3A_20, %dma_start3A_21] : memref<10240x128xf32, #tpu.memory_space<hbm>> -> memref<10240x128xf32, #tpu.memory_space<hbm>>
      tpu.enqueue_indirect_dma source(%dma_start3A_22 : memref<10240x128xf32, #tpu.memory_space<hbm>>) target(%arg10 : memref<128x128xf32, #tpu.memory_space<vmem>>) offsets(%dma_start3A_19 : memref<128xi32, #tpu.memory_space<vmem>>) semaphore(%arg11 : memref<!tpu.dma_semaphore, #tpu.memory_space<semaphore_mem>>)
      %dma_wait3A = arith.constant 0 : i32
      %dma_wait3A_23 = tpu.memref_slice %arg8[%scan3A_17, %dma_wait3A] : memref<79x128xi32, #tpu.memory_space<vmem>> -> memref<1x128xi32, #tpu.memory_space<vmem>>
      %dma_wait3A_24 = tpu.memref_squeeze %dma_wait3A_23 : memref<1x128xi32, #tpu.memory_space<vmem>> -> memref<128xi32, #tpu.memory_space<vmem>>
      %dma_wait3A_25 = arith.constant 0 : i32
      %dma_wait3A_26 = arith.constant 0 : i32
      %dma_wait3A_27 = tpu.memref_slice %arg2[%dma_wait3A_25, %dma_wait3A_26] : memref<10240x128xf32, #tpu.memory_space<hbm>> -> memref<10240x128xf32, #tpu.memory_space<hbm>>
      tpu.wait_indirect_dma semaphore(%arg11 : memref<!tpu.dma_semaphore, #tpu.memory_space<semaphore_mem>>) src(%dma_wait3A_27 : memref<10240x128xf32, #tpu.memory_space<hbm>>) dst(%arg10 : memref<128x128xf32, #tpu.memory_space<vmem>>)
      "tpu.region"() ({
        %run_scoped3A = tpu.sem_alloc : memref<!tpu.dma_semaphore, #tpu.memory_space<semaphore_mem>>
        %dma_start3A_28 = arith.constant 0 : i32
        %dma_start3A_29 = tpu.memref_slice %arg9[%scan3A_17, %dma_start3A_28] : memref<79x128xi32, #tpu.memory_space<vmem>> -> memref<1x128xi32, #tpu.memory_space<vmem>>
        %dma_start3A_30 = tpu.memref_squeeze %dma_start3A_29 : memref<1x128xi32, #tpu.memory_space<vmem>> -> memref<128xi32, #tpu.memory_space<vmem>>
        %dma_start3A_31 = arith.constant 0 : i32
        %dma_start3A_32 = arith.constant 0 : i32
        %dma_start3A_33 = tpu.memref_slice %arg7[%dma_start3A_31, %dma_start3A_32] : memref<10240x128xf32, #tpu.memory_space<vmem_shared>> -> memref<10240x128xf32, #tpu.memory_space<vmem_shared>>
        tpu.enqueue_indirect_dma source(%arg10 : memref<128x128xf32, #tpu.memory_space<vmem>>) target(%dma_start3A_33 : memref<10240x128xf32, #tpu.memory_space<vmem_shared>>) offsets(%dma_start3A_30 : memref<128xi32, #tpu.memory_space<vmem>>) semaphore(%run_scoped3A : memref<!tpu.dma_semaphore, #tpu.memory_space<semaphore_mem>>) {add = true}
        %dma_wait3A_34 = arith.constant 0 : i32
        %dma_wait3A_35 = tpu.memref_slice %arg9[%scan3A_17, %dma_wait3A_34] : memref<79x128xi32, #tpu.memory_space<vmem>> -> memref<1x128xi32, #tpu.memory_space<vmem>>
        %dma_wait3A_36 = tpu.memref_squeeze %dma_wait3A_35 : memref<1x128xi32, #tpu.memory_space<vmem>> -> memref<128xi32, #tpu.memory_space<vmem>>
        %dma_wait3A_37 = arith.constant 0 : i32
        %dma_wait3A_38 = arith.constant 0 : i32
        %dma_wait3A_39 = tpu.memref_slice %arg7[%dma_wait3A_37, %dma_wait3A_38] : memref<10240x128xf32, #tpu.memory_space<vmem_shared>> -> memref<10240x128xf32, #tpu.memory_space<vmem_shared>>
        tpu.wait_indirect_dma semaphore(%run_scoped3A : memref<!tpu.dma_semaphore, #tpu.memory_space<semaphore_mem>>) src(%arg10 : memref<128x128xf32, #tpu.memory_space<vmem>>) dst(%dma_wait3A_39 : memref<10240x128xf32, #tpu.memory_space<vmem_shared>>)
        tpu.yield
      }) : () -> ()
    }
    %scan3A_11 = arith.constant 79 : i32
    %barrier3A_12 = arith.constant 0 : index
    tpu.barrier barrier_id(%barrier3A_12)
    %mul3A_13 = arith.constant 640 : i32
    %mul3A_14 = arith.muli %arg1, %mul3A_13 : i32
    %mul3A_15 = arith.constant 640 : i32
    %mul3A_16 = arith.muli %arg1, %mul3A_15 : i32
    "tpu.region"() ({
      %run_scoped3A = tpu.sem_alloc : memref<!tpu.dma_semaphore, #tpu.memory_space<semaphore_mem>>
      %dma_start3A = arith.constant 0 : i32
      %dma_start3A_17 = tpu.memref_slice %arg6[%arg0, %mul3A_16, %dma_start3A] : memref<2x10240x128xf32, #tpu.memory_space<hbm>> -> memref<1x640x128xf32, #tpu.memory_space<hbm>>
      %dma_start3A_18 = tpu.memref_squeeze %dma_start3A_17 : memref<1x640x128xf32, #tpu.memory_space<hbm>> -> memref<640x128xf32, #tpu.memory_space<hbm>>
      %dma_start3A_19 = arith.constant 0 : i32
      %dma_start3A_20 = tpu.memref_slice %arg7[%mul3A_14, %dma_start3A_19] : memref<10240x128xf32, #tpu.memory_space<vmem_shared>> -> memref<640x128xf32, #tpu.memory_space<vmem_shared>>
      tpu.enqueue_dma source(%dma_start3A_20 : memref<640x128xf32, #tpu.memory_space<vmem_shared>>) target(%dma_start3A_18 : memref<640x128xf32, #tpu.memory_space<hbm>>) target_semaphore(%run_scoped3A : memref<!tpu.dma_semaphore, #tpu.memory_space<semaphore_mem>>)
      %dma_wait3A = arith.constant 0 : i32
      %dma_wait3A_21 = tpu.memref_slice %arg6[%arg0, %mul3A_16, %dma_wait3A] : memref<2x10240x128xf32, #tpu.memory_space<hbm>> -> memref<1x640x128xf32, #tpu.memory_space<hbm>>
      %dma_wait3A_22 = tpu.memref_squeeze %dma_wait3A_21 : memref<1x640x128xf32, #tpu.memory_space<hbm>> -> memref<640x128xf32, #tpu.memory_space<hbm>>
      %dma_wait3A_23 = arith.constant 0 : i32
      %dma_wait3A_24 = tpu.memref_slice %arg7[%mul3A_14, %dma_wait3A_23] : memref<10240x128xf32, #tpu.memory_space<vmem_shared>> -> memref<640x128xf32, #tpu.memory_space<vmem_shared>>
      tpu.wait_dma2 semaphore(%run_scoped3A : memref<!tpu.dma_semaphore, #tpu.memory_space<semaphore_mem>>) src(%dma_wait3A_24 : memref<640x128xf32, #tpu.memory_space<vmem_shared>>) dst(%dma_wait3A_22 : memref<640x128xf32, #tpu.memory_space<hbm>>)
      tpu.yield
    }) : () -> ()
    return
  }
}

module attributes {stable_mosaic.version = 14 : i64} {
  func.func @_norm_body(%arg0: i32, %arg1: memref<2x1280x128xf32, #tpu.memory_space<vmem>>, %arg2: memref<1280x128xf32, #tpu.memory_space<vmem>>, %arg3: memref<1280x128xf32, #tpu.memory_space<vmem>>, %arg4: memref<1280x128xf32, #tpu.memory_space<vmem>>) attributes {dimension_semantics = [#tpu.dimension_semantics<arbitrary>], iteration_bounds = array<i64: 8>, scalar_prefetch = 0 : i64, scratch_operands = 0 : i64, tpu.core_type = #tpu.core_type<tc>, window_params = [{transform_indices = @transform_0, window_bounds = array<i64: 2, 1280, 128>}, {transform_indices = @transform_1, window_bounds = array<i64: 1280, 128>}, {transform_indices = @transform_2, window_bounds = array<i64: 1280, 128>}, {transform_indices = @transform_3, window_bounds = array<i64: 1280, 128>}]} {
    %get3A = arith.constant 0 : index
    %get3A_0 = arith.constant 0 : index
    %get3A_1 = arith.constant 0 : index
    %get3A_2 = vector.load %arg1[%get3A, %get3A_0, %get3A_1] : memref<2x1280x128xf32, #tpu.memory_space<vmem>>, vector<2x1280x128xf32>
    %reduce_sum3A = arith.constant dense<0.000000e+00> : vector<1280xf32>
    %reduce_sum3A_3 = vector.multi_reduction <add>, %get3A_2, %reduce_sum3A [0, 2] : vector<2x1280x128xf32> to vector<1280xf32>
    %mul3A = arith.constant 7.812500e-03 : f32
    %mul3A_4 = vector.broadcast %mul3A : f32 to vector<1280xf32>
    %mul3A_5 = arith.mulf %reduce_sum3A_3, %mul3A_4 : vector<1280xf32>
    %add3A = arith.constant 1.000000e+00 : f32
    %add3A_6 = vector.broadcast %add3A : f32 to vector<1280xf32>
    %add3A_7 = arith.addf %add3A_6, %mul3A_5 : vector<1280xf32>
    %rsqrt3A = math.rsqrt %add3A_7 : vector<1280xf32>
    %broadcast_in_dim3A = vector.shape_cast %rsqrt3A : vector<1280xf32> to vector<1280x1xf32>
    %broadcast_in_dim3A_8 = vector.shape_cast %broadcast_in_dim3A : vector<1280x1xf32> to vector<1280x1xf32>
    %broadcast_in_dim3A_9 = vector.broadcast %broadcast_in_dim3A_8 : vector<1280x1xf32> to vector<1280x128xf32>
    %swap3A = arith.constant 0 : index
    %swap3A_10 = arith.constant 0 : index
    %swap3A_11 = vector.load %arg3[%swap3A, %swap3A_10] : memref<1280x128xf32, #tpu.memory_space<vmem>>, vector<1280x128xf32>
    tpu.vector_store %arg3[%swap3A, %swap3A_10], %broadcast_in_dim3A_9 {strides = array<i32>} : memref<1280x128xf32, #tpu.memory_space<vmem>>, vector<1280x128xf32>,
    %get3A_12 = arith.constant 0 : index
    %get3A_13 = arith.constant 0 : index
    %get3A_14 = vector.load %arg2[%get3A_12, %get3A_13] : memref<1280x128xf32, #tpu.memory_space<vmem>>, vector<1280x128xf32>
    %mul3A_15 = arith.mulf %get3A_14, %broadcast_in_dim3A_9 : vector<1280x128xf32>
    %swap3A_16 = arith.constant 0 : index
    %swap3A_17 = arith.constant 0 : index
    %swap3A_18 = vector.load %arg4[%swap3A_16, %swap3A_17] : memref<1280x128xf32, #tpu.memory_space<vmem>>, vector<1280x128xf32>
    tpu.vector_store %arg4[%swap3A_16, %swap3A_17], %mul3A_15 {strides = array<i32>} : memref<1280x128xf32, #tpu.memory_space<vmem>>, vector<1280x128xf32>,
    return
  }
  func.func @transform_0(%arg0: i32) -> (i32, i32, i32) {
    %c0_i32 = arith.constant 0 : i32
    %c0_i32_0 = arith.constant 0 : i32
    %c0_i32_1 = arith.constant 0 : i32
    return %c0_i32, %arg0, %c0_i32_0 : i32, i32, i32
  }
  func.func @transform_1(%arg0: i32) -> (i32, i32) {
    %c0_i32 = arith.constant 0 : i32
    %c0_i32_0 = arith.constant 0 : i32
    return %arg0, %c0_i32 : i32, i32
  }
  func.func @transform_2(%arg0: i32) -> (i32, i32) {
    %c0_i32 = arith.constant 0 : i32
    %c0_i32_0 = arith.constant 0 : i32
    return %arg0, %c0_i32 : i32, i32
  }
  func.func @transform_3(%arg0: i32) -> (i32, i32) {
    %c0_i32 = arith.constant 0 : i32
    %c0_i32_0 = arith.constant 0 : i32
    return %arg0, %c0_i32 : i32, i32
  }
}

module attributes {stable_mosaic.version = 14 : i64} {
  func.func @_combine_body(%arg0: i32, %arg1: memref<2x1280x128xf32, #tpu.memory_space<vmem>>, %arg2: memref<1280x128xf32, #tpu.memory_space<vmem>>, %arg3: memref<1280x128xf32, #tpu.memory_space<vmem>>, %arg4: memref<1280x128xf32, #tpu.memory_space<vmem>>) attributes {dimension_semantics = [#tpu.dimension_semantics<arbitrary>], iteration_bounds = array<i64: 8>, scalar_prefetch = 0 : i64, scratch_operands = 0 : i64, tpu.core_type = #tpu.core_type<tc>, window_params = [{transform_indices = @transform_0, window_bounds = array<i64: 2, 1280, 128>}, {transform_indices = @transform_1, window_bounds = array<i64: 1280, 128>}, {transform_indices = @transform_2, window_bounds = array<i64: 1280, 128>}, {transform_indices = @transform_3, window_bounds = array<i64: 1280, 128>}]} {
    %get3A = arith.constant 0 : index
    %get3A_0 = arith.constant 0 : index
    %get3A_1 = arith.constant 0 : index
    %get3A_2 = vector.load %arg1[%get3A, %get3A_0, %get3A_1] : memref<2x1280x128xf32, #tpu.memory_space<vmem>>, vector<1x1280x128xf32>
    %get3A_3 = vector.shape_cast %get3A_2 : vector<1x1280x128xf32> to vector<1280x128xf32>
    %get3A_4 = arith.constant 1 : index
    %get3A_5 = arith.constant 0 : index
    %get3A_6 = arith.constant 0 : index
    %get3A_7 = vector.load %arg1[%get3A_4, %get3A_5, %get3A_6] : memref<2x1280x128xf32, #tpu.memory_space<vmem>>, vector<1x1280x128xf32>
    %get3A_8 = vector.shape_cast %get3A_7 : vector<1x1280x128xf32> to vector<1280x128xf32>
    %add3A = arith.addf %get3A_3, %get3A_8 : vector<1280x128xf32>
    %get3A_9 = arith.constant 0 : index
    %get3A_10 = arith.constant 0 : index
    %get3A_11 = vector.load %arg2[%get3A_9, %get3A_10] : memref<1280x128xf32, #tpu.memory_space<vmem>>, vector<1280x128xf32>
    %mul3A = arith.mulf %add3A, %get3A_11 : vector<1280x128xf32>
    %swap3A = arith.constant 0 : index
    %swap3A_12 = arith.constant 0 : index
    %swap3A_13 = vector.load %arg3[%swap3A, %swap3A_12] : memref<1280x128xf32, #tpu.memory_space<vmem>>, vector<1280x128xf32>
    tpu.vector_store %arg3[%swap3A, %swap3A_12], %mul3A {strides = array<i32>} : memref<1280x128xf32, #tpu.memory_space<vmem>>, vector<1280x128xf32>,
    %mul3A_14 = arith.mulf %mul3A, %get3A_11 : vector<1280x128xf32>
    %swap3A_15 = arith.constant 0 : index
    %swap3A_16 = arith.constant 0 : index
    %swap3A_17 = vector.load %arg4[%swap3A_15, %swap3A_16] : memref<1280x128xf32, #tpu.memory_space<vmem>>, vector<1280x128xf32>
    tpu.vector_store %arg4[%swap3A_15, %swap3A_16], %mul3A_14 {strides = array<i32>} : memref<1280x128xf32, #tpu.memory_space<vmem>>, vector<1280x128xf32>,
    return
  }
  func.func @transform_0(%arg0: i32) -> (i32, i32, i32) {
    %c0_i32 = arith.constant 0 : i32
    %c0_i32_0 = arith.constant 0 : i32
    %c0_i32_1 = arith.constant 0 : i32
    return %c0_i32, %arg0, %c0_i32_0 : i32, i32, i32
  }
  func.func @transform_1(%arg0: i32) -> (i32, i32) {
    %c0_i32 = arith.constant 0 : i32
    %c0_i32_0 = arith.constant 0 : i32
    return %arg0, %c0_i32 : i32, i32
  }
  func.func @transform_2(%arg0: i32) -> (i32, i32) {
    %c0_i32 = arith.constant 0 : i32
    %c0_i32_0 = arith.constant 0 : i32
    return %arg0, %c0_i32 : i32, i32
  }
  func.func @transform_3(%arg0: i32) -> (i32, i32) {
    %c0_i32 = arith.constant 0 : i32
    %c0_i32_0 = arith.constant 0 : i32
    return %arg0, %c0_i32 : i32, i32
  }
}

module attributes {stable_mosaic.version = 14 : i64} {
  func.func @_combine_body(%arg0: i32, %arg1: memref<2x1280x128xf32, #tpu.memory_space<vmem>>, %arg2: memref<1280x128xf32, #tpu.memory_space<vmem>>, %arg3: memref<1280x128xf32, #tpu.memory_space<vmem>>, %arg4: memref<1280x128xf32, #tpu.memory_space<vmem>>) attributes {dimension_semantics = [#tpu.dimension_semantics<arbitrary>], iteration_bounds = array<i64: 8>, scalar_prefetch = 0 : i64, scratch_operands = 0 : i64, tpu.core_type = #tpu.core_type<tc>, window_params = [{transform_indices = @transform_0, window_bounds = array<i64: 2, 1280, 128>}, {transform_indices = @transform_1, window_bounds = array<i64: 1280, 128>}, {transform_indices = @transform_2, window_bounds = array<i64: 1280, 128>}, {transform_indices = @transform_3, window_bounds = array<i64: 1280, 128>}]} {
    %get3A = arith.constant 0 : index
    %get3A_0 = arith.constant 0 : index
    %get3A_1 = arith.constant 0 : index
    %get3A_2 = vector.load %arg1[%get3A, %get3A_0, %get3A_1] : memref<2x1280x128xf32, #tpu.memory_space<vmem>>, vector<1x1280x128xf32>
    %get3A_3 = vector.shape_cast %get3A_2 : vector<1x1280x128xf32> to vector<1280x128xf32>
    %get3A_4 = arith.constant 1 : index
    %get3A_5 = arith.constant 0 : index
    %get3A_6 = arith.constant 0 : index
    %get3A_7 = vector.load %arg1[%get3A_4, %get3A_5, %get3A_6] : memref<2x1280x128xf32, #tpu.memory_space<vmem>>, vector<1x1280x128xf32>
    %get3A_8 = vector.shape_cast %get3A_7 : vector<1x1280x128xf32> to vector<1280x128xf32>
    %add3A = arith.addf %get3A_3, %get3A_8 : vector<1280x128xf32>
    %get3A_9 = arith.constant 0 : index
    %get3A_10 = arith.constant 0 : index
    %get3A_11 = vector.load %arg2[%get3A_9, %get3A_10] : memref<1280x128xf32, #tpu.memory_space<vmem>>, vector<1280x128xf32>
    %mul3A = arith.mulf %add3A, %get3A_11 : vector<1280x128xf32>
    %swap3A = arith.constant 0 : index
    %swap3A_12 = arith.constant 0 : index
    %swap3A_13 = vector.load %arg3[%swap3A, %swap3A_12] : memref<1280x128xf32, #tpu.memory_space<vmem>>, vector<1280x128xf32>
    tpu.vector_store %arg3[%swap3A, %swap3A_12], %mul3A {strides = array<i32>} : memref<1280x128xf32, #tpu.memory_space<vmem>>, vector<1280x128xf32>,
    %mul3A_14 = arith.mulf %mul3A, %get3A_11 : vector<1280x128xf32>
    %swap3A_15 = arith.constant 0 : index
    %swap3A_16 = arith.constant 0 : index
    %swap3A_17 = vector.load %arg4[%swap3A_15, %swap3A_16] : memref<1280x128xf32, #tpu.memory_space<vmem>>, vector<1280x128xf32>
    tpu.vector_store %arg4[%swap3A_15, %swap3A_16], %mul3A_14 {strides = array<i32>} : memref<1280x128xf32, #tpu.memory_space<vmem>>, vector<1280x128xf32>,
    return
  }
  func.func @transform_0(%arg0: i32) -> (i32, i32, i32) {
    %c0_i32 = arith.constant 0 : i32
    %c0_i32_0 = arith.constant 0 : i32
    %c0_i32_1 = arith.constant 0 : i32
    return %c0_i32, %arg0, %c0_i32_0 : i32, i32, i32
  }
  func.func @transform_1(%arg0: i32) -> (i32, i32) {
    %c0_i32 = arith.constant 0 : i32
    %c0_i32_0 = arith.constant 0 : i32
    return %arg0, %c0_i32 : i32, i32
  }
  func.func @transform_2(%arg0: i32) -> (i32, i32) {
    %c0_i32 = arith.constant 0 : i32
    %c0_i32_0 = arith.constant 0 : i32
    return %arg0, %c0_i32 : i32, i32
  }
  func.func @transform_3(%arg0: i32) -> (i32, i32) {
    %c0_i32 = arith.constant 0 : i32
    %c0_i32_0 = arith.constant 0 : i32
    return %arg0, %c0_i32 : i32, i32
  }
}

module attributes {stable_mosaic.version = 14 : i64} {
  func.func @_mlp_body(%arg0: i32, %arg1: memref<1280x128xf32, #tpu.memory_space<vmem>>, %arg2: memref<1280x128xf32, #tpu.memory_space<vmem>>, %arg3: memref<1280x128xf32, #tpu.memory_space<vmem>>, %arg4: memref<1280x128xf32, #tpu.memory_space<vmem>>, %arg5: memref<4x128x128xf32, #tpu.memory_space<vmem>>, %arg6: memref<4x128xf32, #tpu.memory_space<vmem>>, %arg7: memref<4x128x128xf32, #tpu.memory_space<vmem>>, %arg8: memref<4x128xf32, #tpu.memory_space<vmem>>, %arg9: memref<4x128x128xf32, #tpu.memory_space<vmem>>, %arg10: memref<4x128xf32, #tpu.memory_space<vmem>>, %arg11: memref<4x128x128xf32, #tpu.memory_space<vmem>>, %arg12: memref<1x128xf32, #tpu.memory_space<vmem>>, %arg13: memref<128x128xf32, #tpu.memory_space<vmem>>, %arg14: memref<1x128xf32, #tpu.memory_space<vmem>>, %arg15: memref<128x128xf32, #tpu.memory_space<vmem>>, %arg16: memref<1x128xf32, #tpu.memory_space<vmem>>, %arg17: memref<1280x128xf32, #tpu.memory_space<vmem>>) attributes {dimension_semantics = [#tpu.dimension_semantics<arbitrary>], iteration_bounds = array<i64: 8>, scalar_prefetch = 0 : i64, scratch_operands = 0 : i64, tpu.core_type = #tpu.core_type<tc>, window_params = [{transform_indices = @transform_0, window_bounds = array<i64: 1280, 128>}, {transform_indices = @transform_1, window_bounds = array<i64: 1280, 128>}, {transform_indices = @transform_2, window_bounds = array<i64: 1280, 128>}, {transform_indices = @transform_3, window_bounds = array<i64: 1280, 128>}, {pipeline_mode = #tpu.pipeline_mode<synchronous>, transform_indices = @transform_4, window_bounds = array<i64: 4, 128, 128>}, {pipeline_mode = #tpu.pipeline_mode<synchronous>, transform_indices = @transform_5, window_bounds = array<i64: 4, 128>}, {pipeline_mode = #tpu.pipeline_mode<synchronous>, transform_indices = @transform_6, window_bounds = array<i64: 4, 128, 128>}, {pipeline_mode = #tpu.pipeline_mode<synchronous>, transform_indices = @transform_7, window_bounds = array<i64: 4, 128>}, {pipeline_mode = #tpu.pipeline_mode<synchronous>, transform_indices = @transform_8, window_bounds = array<i64: 4, 128, 128>}, {pipeline_mode = #tpu.pipeline_mode<synchronous>, transform_indices = @transform_9, window_bounds = array<i64: 4, 128>}, {pipeline_mode = #tpu.pipeline_mode<synchronous>, transform_indices = @transform_10, window_bounds = array<i64: 4, 128, 128>}, {pipeline_mode = #tpu.pipeline_mode<synchronous>, transform_indices = @transform_11, window_bounds = array<i64: 1, 128>}, {pipeline_mode = #tpu.pipeline_mode<synchronous>, transform_indices = @transform_12, window_bounds = array<i64: 128, 128>}, {pipeline_mode = #tpu.pipeline_mode<synchronous>, transform_indices = @transform_13, window_bounds = array<i64: 1, 128>}, {pipeline_mode = #tpu.pipeline_mode<synchronous>, transform_indices = @transform_14, window_bounds = array<i64: 128, 128>}, {pipeline_mode = #tpu.pipeline_mode<synchronous>, transform_indices = @transform_15, window_bounds = array<i64: 1, 128>}, {transform_indices = @transform_16, window_bounds = array<i64: 1280, 128>}]} {
    %broadcast_in_dim3A = arith.constant 0.000000e+00 : f32
    %broadcast_in_dim3A_0 = vector.broadcast %broadcast_in_dim3A : f32 to vector<1280x128xf32>
    %get3A = arith.constant 0 : index
    %get3A_1 = arith.constant 0 : index
    %get3A_2 = vector.load %arg1[%get3A, %get3A_1] : memref<1280x128xf32, #tpu.memory_space<vmem>>, vector<1280x128xf32>
    %get3A_3 = arith.constant 0 : index
    %get3A_4 = arith.constant 0 : index
    %get3A_5 = arith.constant 0 : index
    %get3A_6 = vector.load %arg5[%get3A_3, %get3A_4, %get3A_5] : memref<4x128x128xf32, #tpu.memory_space<vmem>>, vector<1x128x128xf32>
    %get3A_7 = vector.shape_cast %get3A_6 : vector<1x128x128xf32> to vector<128x128xf32>
    %dot_general3A = arith.constant dense<0.000000e+00> : vector<1280x128xf32>
    %dot_general3A_8 = tpu.matmul %get3A_2, %get3A_7, %dot_general3A {dimension_numbers = #tpu.dot_dimension_numbers<[1], [0], [0], [1], [0, 0, 1, 1], [], []>, transpose_lhs_hint = false} : vector<1280x128xf32>, vector<128x128xf32>, vector<1280x128xf32> -> vector<1280x128xf32>
    %get3A_9 = arith.constant 0 : index
    %get3A_10 = arith.constant 0 : index
    %get3A_11 = vector.load %arg6[%get3A_9, %get3A_10] : memref<4x128xf32, #tpu.memory_space<vmem>>, vector<1x128xf32>
    %get3A_12 = vector.shape_cast %get3A_11 : vector<1x128xf32> to vector<128xf32>
    %broadcast_in_dim3A_13 = vector.shape_cast %get3A_12 : vector<128xf32> to vector<1x128xf32>
    %add3A = vector.broadcast %broadcast_in_dim3A_13 : vector<1x128xf32> to vector<1280x128xf32>
    %add3A_14 = arith.addf %dot_general3A_8, %add3A : vector<1280x128xf32>
    %gt3A = arith.constant 0.000000e+00 : f32
    %gt3A_15 = vector.broadcast %gt3A : f32 to vector<1280x128xf32>
    %gt3A_16 = arith.cmpf ogt, %add3A_14, %gt3A_15 : vector<1280x128xf32>
    %mul3A = arith.constant 2.500000e-01 : f32
    %mul3A_17 = vector.broadcast %mul3A : f32 to vector<1280x128xf32>
    %mul3A_18 = arith.mulf %mul3A_17, %add3A_14 : vector<1280x128xf32>
    %select_n3A = arith.select %gt3A_16, %add3A_14, %mul3A_18 : vector<1280x128xi1>, vector<1280x128xf32>
    %get3A_19 = arith.constant 0 : index
    %get3A_20 = arith.constant 0 : index
    %get3A_21 = arith.constant 0 : index
    %get3A_22 = vector.load %arg7[%get3A_19, %get3A_20, %get3A_21] : memref<4x128x128xf32, #tpu.memory_space<vmem>>, vector<1x128x128xf32>
    %get3A_23 = vector.shape_cast %get3A_22 : vector<1x128x128xf32> to vector<128x128xf32>
    %dot_general3A_24 = arith.constant dense<0.000000e+00> : vector<1280x128xf32>
    %dot_general3A_25 = tpu.matmul %select_n3A, %get3A_23, %dot_general3A_24 {dimension_numbers = #tpu.dot_dimension_numbers<[1], [0], [0], [1], [0, 0, 1, 1], [], []>, transpose_lhs_hint = false} : vector<1280x128xf32>, vector<128x128xf32>, vector<1280x128xf32> -> vector<1280x128xf32>
    %get3A_26 = arith.constant 0 : index
    %get3A_27 = arith.constant 0 : index
    %get3A_28 = vector.load %arg8[%get3A_26, %get3A_27] : memref<4x128xf32, #tpu.memory_space<vmem>>, vector<1x128xf32>
    %get3A_29 = vector.shape_cast %get3A_28 : vector<1x128xf32> to vector<128xf32>
    %broadcast_in_dim3A_30 = vector.shape_cast %get3A_29 : vector<128xf32> to vector<1x128xf32>
    %add3A_31 = vector.broadcast %broadcast_in_dim3A_30 : vector<1x128xf32> to vector<1280x128xf32>
    %add3A_32 = arith.addf %dot_general3A_25, %add3A_31 : vector<1280x128xf32>
    %gt3A_33 = arith.constant 0.000000e+00 : f32
    %gt3A_34 = vector.broadcast %gt3A_33 : f32 to vector<1280x128xf32>
    %gt3A_35 = arith.cmpf ogt, %add3A_32, %gt3A_34 : vector<1280x128xf32>
    %mul3A_36 = arith.constant 2.500000e-01 : f32
    %mul3A_37 = vector.broadcast %mul3A_36 : f32 to vector<1280x128xf32>
    %mul3A_38 = arith.mulf %mul3A_37, %add3A_32 : vector<1280x128xf32>
    %select_n3A_39 = arith.select %gt3A_35, %add3A_32, %mul3A_38 : vector<1280x128xi1>, vector<1280x128xf32>
    %get3A_40 = arith.constant 0 : index
    %get3A_41 = arith.constant 0 : index
    %get3A_42 = arith.constant 0 : index
    %get3A_43 = vector.load %arg9[%get3A_40, %get3A_41, %get3A_42] : memref<4x128x128xf32, #tpu.memory_space<vmem>>, vector<1x128x128xf32>
    %get3A_44 = vector.shape_cast %get3A_43 : vector<1x128x128xf32> to vector<128x128xf32>
    %dot_general3A_45 = arith.constant dense<0.000000e+00> : vector<1280x128xf32>
    %dot_general3A_46 = tpu.matmul %select_n3A_39, %get3A_44, %dot_general3A_45 {dimension_numbers = #tpu.dot_dimension_numbers<[1], [0], [0], [1], [0, 0, 1, 1], [], []>, transpose_lhs_hint = false} : vector<1280x128xf32>, vector<128x128xf32>, vector<1280x128xf32> -> vector<1280x128xf32>
    %get3A_47 = arith.constant 0 : index
    %get3A_48 = arith.constant 0 : index
    %get3A_49 = vector.load %arg10[%get3A_47, %get3A_48] : memref<4x128xf32, #tpu.memory_space<vmem>>, vector<1x128xf32>
    %get3A_50 = vector.shape_cast %get3A_49 : vector<1x128xf32> to vector<128xf32>
    %broadcast_in_dim3A_51 = vector.shape_cast %get3A_50 : vector<128xf32> to vector<1x128xf32>
    %add3A_52 = vector.broadcast %broadcast_in_dim3A_51 : vector<1x128xf32> to vector<1280x128xf32>
    %add3A_53 = arith.addf %dot_general3A_46, %add3A_52 : vector<1280x128xf32>
    %gt3A_54 = arith.constant 0.000000e+00 : f32
    %gt3A_55 = vector.broadcast %gt3A_54 : f32 to vector<1280x128xf32>
    %gt3A_56 = arith.cmpf ogt, %add3A_53, %gt3A_55 : vector<1280x128xf32>
    %mul3A_57 = arith.constant 2.500000e-01 : f32
    %mul3A_58 = vector.broadcast %mul3A_57 : f32 to vector<1280x128xf32>
    %mul3A_59 = arith.mulf %mul3A_58, %add3A_53 : vector<1280x128xf32>
    %select_n3A_60 = arith.select %gt3A_56, %add3A_53, %mul3A_59 : vector<1280x128xi1>, vector<1280x128xf32>
    %get3A_61 = arith.constant 0 : index
    %get3A_62 = arith.constant 0 : index
    %get3A_63 = arith.constant 0 : index
    %get3A_64 = vector.load %arg11[%get3A_61, %get3A_62, %get3A_63] : memref<4x128x128xf32, #tpu.memory_space<vmem>>, vector<1x128x128xf32>
    %get3A_65 = vector.shape_cast %get3A_64 : vector<1x128x128xf32> to vector<128x128xf32>
    %dot_general3A_66 = arith.constant dense<0.000000e+00> : vector<1280x128xf32>
    %dot_general3A_67 = tpu.matmul %select_n3A_60, %get3A_65, %dot_general3A_66 {dimension_numbers = #tpu.dot_dimension_numbers<[1], [0], [0], [1], [0, 0, 1, 1], [], []>, transpose_lhs_hint = false} : vector<1280x128xf32>, vector<128x128xf32>, vector<1280x128xf32> -> vector<1280x128xf32>
    %add3A_68 = arith.addf %broadcast_in_dim3A_0, %dot_general3A_67 : vector<1280x128xf32>
    %get3A_69 = arith.constant 0 : index
    %get3A_70 = arith.constant 0 : index
    %get3A_71 = vector.load %arg2[%get3A_69, %get3A_70] : memref<1280x128xf32, #tpu.memory_space<vmem>>, vector<1280x128xf32>
    %get3A_72 = arith.constant 1 : index
    %get3A_73 = arith.constant 0 : index
    %get3A_74 = arith.constant 0 : index
    %get3A_75 = vector.load %arg5[%get3A_72, %get3A_73, %get3A_74] : memref<4x128x128xf32, #tpu.memory_space<vmem>>, vector<1x128x128xf32>
    %get3A_76 = vector.shape_cast %get3A_75 : vector<1x128x128xf32> to vector<128x128xf32>
    %dot_general3A_77 = arith.constant dense<0.000000e+00> : vector<1280x128xf32>
    %dot_general3A_78 = tpu.matmul %get3A_71, %get3A_76, %dot_general3A_77 {dimension_numbers = #tpu.dot_dimension_numbers<[1], [0], [0], [1], [0, 0, 1, 1], [], []>, transpose_lhs_hint = false} : vector<1280x128xf32>, vector<128x128xf32>, vector<1280x128xf32> -> vector<1280x128xf32>
    %get3A_79 = arith.constant 1 : index
    %get3A_80 = arith.constant 0 : index
    %get3A_81 = vector.load %arg6[%get3A_79, %get3A_80] : memref<4x128xf32, #tpu.memory_space<vmem>>, vector<1x128xf32>
    %get3A_82 = vector.shape_cast %get3A_81 : vector<1x128xf32> to vector<128xf32>
    %broadcast_in_dim3A_83 = vector.shape_cast %get3A_82 : vector<128xf32> to vector<1x128xf32>
    %add3A_84 = vector.broadcast %broadcast_in_dim3A_83 : vector<1x128xf32> to vector<1280x128xf32>
    %add3A_85 = arith.addf %dot_general3A_78, %add3A_84 : vector<1280x128xf32>
    %gt3A_86 = arith.constant 0.000000e+00 : f32
    %gt3A_87 = vector.broadcast %gt3A_86 : f32 to vector<1280x128xf32>
    %gt3A_88 = arith.cmpf ogt, %add3A_85, %gt3A_87 : vector<1280x128xf32>
    %mul3A_89 = arith.constant 2.500000e-01 : f32
    %mul3A_90 = vector.broadcast %mul3A_89 : f32 to vector<1280x128xf32>
    %mul3A_91 = arith.mulf %mul3A_90, %add3A_85 : vector<1280x128xf32>
    %select_n3A_92 = arith.select %gt3A_88, %add3A_85, %mul3A_91 : vector<1280x128xi1>, vector<1280x128xf32>
    %get3A_93 = arith.constant 1 : index
    %get3A_94 = arith.constant 0 : index
    %get3A_95 = arith.constant 0 : index
    %get3A_96 = vector.load %arg7[%get3A_93, %get3A_94, %get3A_95] : memref<4x128x128xf32, #tpu.memory_space<vmem>>, vector<1x128x128xf32>
    %get3A_97 = vector.shape_cast %get3A_96 : vector<1x128x128xf32> to vector<128x128xf32>
    %dot_general3A_98 = arith.constant dense<0.000000e+00> : vector<1280x128xf32>
    %dot_general3A_99 = tpu.matmul %select_n3A_92, %get3A_97, %dot_general3A_98 {dimension_numbers = #tpu.dot_dimension_numbers<[1], [0], [0], [1], [0, 0, 1, 1], [], []>, transpose_lhs_hint = false} : vector<1280x128xf32>, vector<128x128xf32>, vector<1280x128xf32> -> vector<1280x128xf32>
    %get3A_100 = arith.constant 1 : index
    %get3A_101 = arith.constant 0 : index
    %get3A_102 = vector.load %arg8[%get3A_100, %get3A_101] : memref<4x128xf32, #tpu.memory_space<vmem>>, vector<1x128xf32>
    %get3A_103 = vector.shape_cast %get3A_102 : vector<1x128xf32> to vector<128xf32>
    %broadcast_in_dim3A_104 = vector.shape_cast %get3A_103 : vector<128xf32> to vector<1x128xf32>
    %add3A_105 = vector.broadcast %broadcast_in_dim3A_104 : vector<1x128xf32> to vector<1280x128xf32>
    %add3A_106 = arith.addf %dot_general3A_99, %add3A_105 : vector<1280x128xf32>
    %gt3A_107 = arith.constant 0.000000e+00 : f32
    %gt3A_108 = vector.broadcast %gt3A_107 : f32 to vector<1280x128xf32>
    %gt3A_109 = arith.cmpf ogt, %add3A_106, %gt3A_108 : vector<1280x128xf32>
    %mul3A_110 = arith.constant 2.500000e-01 : f32
    %mul3A_111 = vector.broadcast %mul3A_110 : f32 to vector<1280x128xf32>
    %mul3A_112 = arith.mulf %mul3A_111, %add3A_106 : vector<1280x128xf32>
    %select_n3A_113 = arith.select %gt3A_109, %add3A_106, %mul3A_112 : vector<1280x128xi1>, vector<1280x128xf32>
    %get3A_114 = arith.constant 1 : index
    %get3A_115 = arith.constant 0 : index
    %get3A_116 = arith.constant 0 : index
    %get3A_117 = vector.load %arg9[%get3A_114, %get3A_115, %get3A_116] : memref<4x128x128xf32, #tpu.memory_space<vmem>>, vector<1x128x128xf32>
    %get3A_118 = vector.shape_cast %get3A_117 : vector<1x128x128xf32> to vector<128x128xf32>
    %dot_general3A_119 = arith.constant dense<0.000000e+00> : vector<1280x128xf32>
    %dot_general3A_120 = tpu.matmul %select_n3A_113, %get3A_118, %dot_general3A_119 {dimension_numbers = #tpu.dot_dimension_numbers<[1], [0], [0], [1], [0, 0, 1, 1], [], []>, transpose_lhs_hint = false} : vector<1280x128xf32>, vector<128x128xf32>, vector<1280x128xf32> -> vector<1280x128xf32>
    %get3A_121 = arith.constant 1 : index
    %get3A_122 = arith.constant 0 : index
    %get3A_123 = vector.load %arg10[%get3A_121, %get3A_122] : memref<4x128xf32, #tpu.memory_space<vmem>>, vector<1x128xf32>
    %get3A_124 = vector.shape_cast %get3A_123 : vector<1x128xf32> to vector<128xf32>
    %broadcast_in_dim3A_125 = vector.shape_cast %get3A_124 : vector<128xf32> to vector<1x128xf32>
    %add3A_126 = vector.broadcast %broadcast_in_dim3A_125 : vector<1x128xf32> to vector<1280x128xf32>
    %add3A_127 = arith.addf %dot_general3A_120, %add3A_126 : vector<1280x128xf32>
    %gt3A_128 = arith.constant 0.000000e+00 : f32
    %gt3A_129 = vector.broadcast %gt3A_128 : f32 to vector<1280x128xf32>
    %gt3A_130 = arith.cmpf ogt, %add3A_127, %gt3A_129 : vector<1280x128xf32>
    %mul3A_131 = arith.constant 2.500000e-01 : f32
    %mul3A_132 = vector.broadcast %mul3A_131 : f32 to vector<1280x128xf32>
    %mul3A_133 = arith.mulf %mul3A_132, %add3A_127 : vector<1280x128xf32>
    %select_n3A_134 = arith.select %gt3A_130, %add3A_127, %mul3A_133 : vector<1280x128xi1>, vector<1280x128xf32>
    %get3A_135 = arith.constant 1 : index
    %get3A_136 = arith.constant 0 : index
    %get3A_137 = arith.constant 0 : index
    %get3A_138 = vector.load %arg11[%get3A_135, %get3A_136, %get3A_137] : memref<4x128x128xf32, #tpu.memory_space<vmem>>, vector<1x128x128xf32>
    %get3A_139 = vector.shape_cast %get3A_138 : vector<1x128x128xf32> to vector<128x128xf32>
    %dot_general3A_140 = arith.constant dense<0.000000e+00> : vector<1280x128xf32>
    %dot_general3A_141 = tpu.matmul %select_n3A_134, %get3A_139, %dot_general3A_140 {dimension_numbers = #tpu.dot_dimension_numbers<[1], [0], [0], [1], [0, 0, 1, 1], [], []>, transpose_lhs_hint = false} : vector<1280x128xf32>, vector<128x128xf32>, vector<1280x128xf32> -> vector<1280x128xf32>
    %add3A_142 = arith.addf %add3A_68, %dot_general3A_141 : vector<1280x128xf32>
    %get3A_143 = arith.constant 0 : index
    %get3A_144 = arith.constant 0 : index
    %get3A_145 = vector.load %arg3[%get3A_143, %get3A_144] : memref<1280x128xf32, #tpu.memory_space<vmem>>, vector<1280x128xf32>
    %get3A_146 = arith.constant 2 : index
    %get3A_147 = arith.constant 0 : index
    %get3A_148 = arith.constant 0 : index
    %get3A_149 = vector.load %arg5[%get3A_146, %get3A_147, %get3A_148] : memref<4x128x128xf32, #tpu.memory_space<vmem>>, vector<1x128x128xf32>
    %get3A_150 = vector.shape_cast %get3A_149 : vector<1x128x128xf32> to vector<128x128xf32>
    %dot_general3A_151 = arith.constant dense<0.000000e+00> : vector<1280x128xf32>
    %dot_general3A_152 = tpu.matmul %get3A_145, %get3A_150, %dot_general3A_151 {dimension_numbers = #tpu.dot_dimension_numbers<[1], [0], [0], [1], [0, 0, 1, 1], [], []>, transpose_lhs_hint = false} : vector<1280x128xf32>, vector<128x128xf32>, vector<1280x128xf32> -> vector<1280x128xf32>
    %get3A_153 = arith.constant 2 : index
    %get3A_154 = arith.constant 0 : index
    %get3A_155 = vector.load %arg6[%get3A_153, %get3A_154] : memref<4x128xf32, #tpu.memory_space<vmem>>, vector<1x128xf32>
    %get3A_156 = vector.shape_cast %get3A_155 : vector<1x128xf32> to vector<128xf32>
    %broadcast_in_dim3A_157 = vector.shape_cast %get3A_156 : vector<128xf32> to vector<1x128xf32>
    %add3A_158 = vector.broadcast %broadcast_in_dim3A_157 : vector<1x128xf32> to vector<1280x128xf32>
    %add3A_159 = arith.addf %dot_general3A_152, %add3A_158 : vector<1280x128xf32>
    %gt3A_160 = arith.constant 0.000000e+00 : f32
    %gt3A_161 = vector.broadcast %gt3A_160 : f32 to vector<1280x128xf32>
    %gt3A_162 = arith.cmpf ogt, %add3A_159, %gt3A_161 : vector<1280x128xf32>
    %mul3A_163 = arith.constant 2.500000e-01 : f32
    %mul3A_164 = vector.broadcast %mul3A_163 : f32 to vector<1280x128xf32>
    %mul3A_165 = arith.mulf %mul3A_164, %add3A_159 : vector<1280x128xf32>
    %select_n3A_166 = arith.select %gt3A_162, %add3A_159, %mul3A_165 : vector<1280x128xi1>, vector<1280x128xf32>
    %get3A_167 = arith.constant 2 : index
    %get3A_168 = arith.constant 0 : index
    %get3A_169 = arith.constant 0 : index
    %get3A_170 = vector.load %arg7[%get3A_167, %get3A_168, %get3A_169] : memref<4x128x128xf32, #tpu.memory_space<vmem>>, vector<1x128x128xf32>
    %get3A_171 = vector.shape_cast %get3A_170 : vector<1x128x128xf32> to vector<128x128xf32>
    %dot_general3A_172 = arith.constant dense<0.000000e+00> : vector<1280x128xf32>
    %dot_general3A_173 = tpu.matmul %select_n3A_166, %get3A_171, %dot_general3A_172 {dimension_numbers = #tpu.dot_dimension_numbers<[1], [0], [0], [1], [0, 0, 1, 1], [], []>, transpose_lhs_hint = false} : vector<1280x128xf32>, vector<128x128xf32>, vector<1280x128xf32> -> vector<1280x128xf32>
    %get3A_174 = arith.constant 2 : index
    %get3A_175 = arith.constant 0 : index
    %get3A_176 = vector.load %arg8[%get3A_174, %get3A_175] : memref<4x128xf32, #tpu.memory_space<vmem>>, vector<1x128xf32>
    %get3A_177 = vector.shape_cast %get3A_176 : vector<1x128xf32> to vector<128xf32>
    %broadcast_in_dim3A_178 = vector.shape_cast %get3A_177 : vector<128xf32> to vector<1x128xf32>
    %add3A_179 = vector.broadcast %broadcast_in_dim3A_178 : vector<1x128xf32> to vector<1280x128xf32>
    %add3A_180 = arith.addf %dot_general3A_173, %add3A_179 : vector<1280x128xf32>
    %gt3A_181 = arith.constant 0.000000e+00 : f32
    %gt3A_182 = vector.broadcast %gt3A_181 : f32 to vector<1280x128xf32>
    %gt3A_183 = arith.cmpf ogt, %add3A_180, %gt3A_182 : vector<1280x128xf32>
    %mul3A_184 = arith.constant 2.500000e-01 : f32
    %mul3A_185 = vector.broadcast %mul3A_184 : f32 to vector<1280x128xf32>
    %mul3A_186 = arith.mulf %mul3A_185, %add3A_180 : vector<1280x128xf32>
    %select_n3A_187 = arith.select %gt3A_183, %add3A_180, %mul3A_186 : vector<1280x128xi1>, vector<1280x128xf32>
    %get3A_188 = arith.constant 2 : index
    %get3A_189 = arith.constant 0 : index
    %get3A_190 = arith.constant 0 : index
    %get3A_191 = vector.load %arg9[%get3A_188, %get3A_189, %get3A_190] : memref<4x128x128xf32, #tpu.memory_space<vmem>>, vector<1x128x128xf32>
    %get3A_192 = vector.shape_cast %get3A_191 : vector<1x128x128xf32> to vector<128x128xf32>
    %dot_general3A_193 = arith.constant dense<0.000000e+00> : vector<1280x128xf32>
    %dot_general3A_194 = tpu.matmul %select_n3A_187, %get3A_192, %dot_general3A_193 {dimension_numbers = #tpu.dot_dimension_numbers<[1], [0], [0], [1], [0, 0, 1, 1], [], []>, transpose_lhs_hint = false} : vector<1280x128xf32>, vector<128x128xf32>, vector<1280x128xf32> -> vector<1280x128xf32>
    %get3A_195 = arith.constant 2 : index
    %get3A_196 = arith.constant 0 : index
    %get3A_197 = vector.load %arg10[%get3A_195, %get3A_196] : memref<4x128xf32, #tpu.memory_space<vmem>>, vector<1x128xf32>
    %get3A_198 = vector.shape_cast %get3A_197 : vector<1x128xf32> to vector<128xf32>
    %broadcast_in_dim3A_199 = vector.shape_cast %get3A_198 : vector<128xf32> to vector<1x128xf32>
    %add3A_200 = vector.broadcast %broadcast_in_dim3A_199 : vector<1x128xf32> to vector<1280x128xf32>
    %add3A_201 = arith.addf %dot_general3A_194, %add3A_200 : vector<1280x128xf32>
    %gt3A_202 = arith.constant 0.000000e+00 : f32
    %gt3A_203 = vector.broadcast %gt3A_202 : f32 to vector<1280x128xf32>
    %gt3A_204 = arith.cmpf ogt, %add3A_201, %gt3A_203 : vector<1280x128xf32>
    %mul3A_205 = arith.constant 2.500000e-01 : f32
    %mul3A_206 = vector.broadcast %mul3A_205 : f32 to vector<1280x128xf32>
    %mul3A_207 = arith.mulf %mul3A_206, %add3A_201 : vector<1280x128xf32>
    %select_n3A_208 = arith.select %gt3A_204, %add3A_201, %mul3A_207 : vector<1280x128xi1>, vector<1280x128xf32>
    %get3A_209 = arith.constant 2 : index
    %get3A_210 = arith.constant 0 : index
    %get3A_211 = arith.constant 0 : index
    %get3A_212 = vector.load %arg11[%get3A_209, %get3A_210, %get3A_211] : memref<4x128x128xf32, #tpu.memory_space<vmem>>, vector<1x128x128xf32>
    %get3A_213 = vector.shape_cast %get3A_212 : vector<1x128x128xf32> to vector<128x128xf32>
    %dot_general3A_214 = arith.constant dense<0.000000e+00> : vector<1280x128xf32>
    %dot_general3A_215 = tpu.matmul %select_n3A_208, %get3A_213, %dot_general3A_214 {dimension_numbers = #tpu.dot_dimension_numbers<[1], [0], [0], [1], [0, 0, 1, 1], [], []>, transpose_lhs_hint = false} : vector<1280x128xf32>, vector<128x128xf32>, vector<1280x128xf32> -> vector<1280x128xf32>
    %add3A_216 = arith.addf %add3A_142, %dot_general3A_215 : vector<1280x128xf32>
    %get3A_217 = arith.constant 0 : index
    %get3A_218 = arith.constant 0 : index
    %get3A_219 = vector.load %arg4[%get3A_217, %get3A_218] : memref<1280x128xf32, #tpu.memory_space<vmem>>, vector<1280x128xf32>
    %get3A_220 = arith.constant 3 : index
    %get3A_221 = arith.constant 0 : index
    %get3A_222 = arith.constant 0 : index
    %get3A_223 = vector.load %arg5[%get3A_220, %get3A_221, %get3A_222] : memref<4x128x128xf32, #tpu.memory_space<vmem>>, vector<1x128x128xf32>
    %get3A_224 = vector.shape_cast %get3A_223 : vector<1x128x128xf32> to vector<128x128xf32>
    %dot_general3A_225 = arith.constant dense<0.000000e+00> : vector<1280x128xf32>
    %dot_general3A_226 = tpu.matmul %get3A_219, %get3A_224, %dot_general3A_225 {dimension_numbers = #tpu.dot_dimension_numbers<[1], [0], [0], [1], [0, 0, 1, 1], [], []>, transpose_lhs_hint = false} : vector<1280x128xf32>, vector<128x128xf32>, vector<1280x128xf32> -> vector<1280x128xf32>
    %get3A_227 = arith.constant 3 : index
    %get3A_228 = arith.constant 0 : index
    %get3A_229 = vector.load %arg6[%get3A_227, %get3A_228] : memref<4x128xf32, #tpu.memory_space<vmem>>, vector<1x128xf32>
    %get3A_230 = vector.shape_cast %get3A_229 : vector<1x128xf32> to vector<128xf32>
    %broadcast_in_dim3A_231 = vector.shape_cast %get3A_230 : vector<128xf32> to vector<1x128xf32>
    %add3A_232 = vector.broadcast %broadcast_in_dim3A_231 : vector<1x128xf32> to vector<1280x128xf32>
    %add3A_233 = arith.addf %dot_general3A_226, %add3A_232 : vector<1280x128xf32>
    %gt3A_234 = arith.constant 0.000000e+00 : f32
    %gt3A_235 = vector.broadcast %gt3A_234 : f32 to vector<1280x128xf32>
    %gt3A_236 = arith.cmpf ogt, %add3A_233, %gt3A_235 : vector<1280x128xf32>
    %mul3A_237 = arith.constant 2.500000e-01 : f32
    %mul3A_238 = vector.broadcast %mul3A_237 : f32 to vector<1280x128xf32>
    %mul3A_239 = arith.mulf %mul3A_238, %add3A_233 : vector<1280x128xf32>
    %select_n3A_240 = arith.select %gt3A_236, %add3A_233, %mul3A_239 : vector<1280x128xi1>, vector<1280x128xf32>
    %get3A_241 = arith.constant 3 : index
    %get3A_242 = arith.constant 0 : index
    %get3A_243 = arith.constant 0 : index
    %get3A_244 = vector.load %arg7[%get3A_241, %get3A_242, %get3A_243] : memref<4x128x128xf32, #tpu.memory_space<vmem>>, vector<1x128x128xf32>
    %get3A_245 = vector.shape_cast %get3A_244 : vector<1x128x128xf32> to vector<128x128xf32>
    %dot_general3A_246 = arith.constant dense<0.000000e+00> : vector<1280x128xf32>
    %dot_general3A_247 = tpu.matmul %select_n3A_240, %get3A_245, %dot_general3A_246 {dimension_numbers = #tpu.dot_dimension_numbers<[1], [0], [0], [1], [0, 0, 1, 1], [], []>, transpose_lhs_hint = false} : vector<1280x128xf32>, vector<128x128xf32>, vector<1280x128xf32> -> vector<1280x128xf32>
    %get3A_248 = arith.constant 3 : index
    %get3A_249 = arith.constant 0 : index
    %get3A_250 = vector.load %arg8[%get3A_248, %get3A_249] : memref<4x128xf32, #tpu.memory_space<vmem>>, vector<1x128xf32>
    %get3A_251 = vector.shape_cast %get3A_250 : vector<1x128xf32> to vector<128xf32>
    %broadcast_in_dim3A_252 = vector.shape_cast %get3A_251 : vector<128xf32> to vector<1x128xf32>
    %add3A_253 = vector.broadcast %broadcast_in_dim3A_252 : vector<1x128xf32> to vector<1280x128xf32>
    %add3A_254 = arith.addf %dot_general3A_247, %add3A_253 : vector<1280x128xf32>
    %gt3A_255 = arith.constant 0.000000e+00 : f32
    %gt3A_256 = vector.broadcast %gt3A_255 : f32 to vector<1280x128xf32>
    %gt3A_257 = arith.cmpf ogt, %add3A_254, %gt3A_256 : vector<1280x128xf32>
    %mul3A_258 = arith.constant 2.500000e-01 : f32
    %mul3A_259 = vector.broadcast %mul3A_258 : f32 to vector<1280x128xf32>
    %mul3A_260 = arith.mulf %mul3A_259, %add3A_254 : vector<1280x128xf32>
    %select_n3A_261 = arith.select %gt3A_257, %add3A_254, %mul3A_260 : vector<1280x128xi1>, vector<1280x128xf32>
    %get3A_262 = arith.constant 3 : index
    %get3A_263 = arith.constant 0 : index
    %get3A_264 = arith.constant 0 : index
    %get3A_265 = vector.load %arg9[%get3A_262, %get3A_263, %get3A_264] : memref<4x128x128xf32, #tpu.memory_space<vmem>>, vector<1x128x128xf32>
    %get3A_266 = vector.shape_cast %get3A_265 : vector<1x128x128xf32> to vector<128x128xf32>
    %dot_general3A_267 = arith.constant dense<0.000000e+00> : vector<1280x128xf32>
    %dot_general3A_268 = tpu.matmul %select_n3A_261, %get3A_266, %dot_general3A_267 {dimension_numbers = #tpu.dot_dimension_numbers<[1], [0], [0], [1], [0, 0, 1, 1], [], []>, transpose_lhs_hint = false} : vector<1280x128xf32>, vector<128x128xf32>, vector<1280x128xf32> -> vector<1280x128xf32>
    %get3A_269 = arith.constant 3 : index
    %get3A_270 = arith.constant 0 : index
    %get3A_271 = vector.load %arg10[%get3A_269, %get3A_270] : memref<4x128xf32, #tpu.memory_space<vmem>>, vector<1x128xf32>
    %get3A_272 = vector.shape_cast %get3A_271 : vector<1x128xf32> to vector<128xf32>
    %broadcast_in_dim3A_273 = vector.shape_cast %get3A_272 : vector<128xf32> to vector<1x128xf32>
    %add3A_274 = vector.broadcast %broadcast_in_dim3A_273 : vector<1x128xf32> to vector<1280x128xf32>
    %add3A_275 = arith.addf %dot_general3A_268, %add3A_274 : vector<1280x128xf32>
    %gt3A_276 = arith.constant 0.000000e+00 : f32
    %gt3A_277 = vector.broadcast %gt3A_276 : f32 to vector<1280x128xf32>
    %gt3A_278 = arith.cmpf ogt, %add3A_275, %gt3A_277 : vector<1280x128xf32>
    %mul3A_279 = arith.constant 2.500000e-01 : f32
    %mul3A_280 = vector.broadcast %mul3A_279 : f32 to vector<1280x128xf32>
    %mul3A_281 = arith.mulf %mul3A_280, %add3A_275 : vector<1280x128xf32>
    %select_n3A_282 = arith.select %gt3A_278, %add3A_275, %mul3A_281 : vector<1280x128xi1>, vector<1280x128xf32>
    %get3A_283 = arith.constant 3 : index
    %get3A_284 = arith.constant 0 : index
    %get3A_285 = arith.constant 0 : index
    %get3A_286 = vector.load %arg11[%get3A_283, %get3A_284, %get3A_285] : memref<4x128x128xf32, #tpu.memory_space<vmem>>, vector<1x128x128xf32>
    %get3A_287 = vector.shape_cast %get3A_286 : vector<1x128x128xf32> to vector<128x128xf32>
    %dot_general3A_288 = arith.constant dense<0.000000e+00> : vector<1280x128xf32>
    %dot_general3A_289 = tpu.matmul %select_n3A_282, %get3A_287, %dot_general3A_288 {dimension_numbers = #tpu.dot_dimension_numbers<[1], [0], [0], [1], [0, 0, 1, 1], [], []>, transpose_lhs_hint = false} : vector<1280x128xf32>, vector<128x128xf32>, vector<1280x128xf32> -> vector<1280x128xf32>
    %add3A_290 = arith.addf %add3A_216, %dot_general3A_289 : vector<1280x128xf32>
    %get3A_291 = arith.constant 0 : index
    %get3A_292 = arith.constant 0 : index
    %get3A_293 = vector.load %arg12[%get3A_291, %get3A_292] : memref<1x128xf32, #tpu.memory_space<vmem>>, vector<1x128xf32>
    %add3A_294 = vector.broadcast %get3A_293 : vector<1x128xf32> to vector<1280x128xf32>
    %add3A_295 = arith.addf %add3A_290, %add3A_294 : vector<1280x128xf32>
    %gt3A_296 = arith.constant 0.000000e+00 : f32
    %gt3A_297 = vector.broadcast %gt3A_296 : f32 to vector<1280x128xf32>
    %gt3A_298 = arith.cmpf ogt, %add3A_295, %gt3A_297 : vector<1280x128xf32>
    %mul3A_299 = arith.constant 2.500000e-01 : f32
    %mul3A_300 = vector.broadcast %mul3A_299 : f32 to vector<1280x128xf32>
    %mul3A_301 = arith.mulf %mul3A_300, %add3A_295 : vector<1280x128xf32>
    %select_n3A_302 = arith.select %gt3A_298, %add3A_295, %mul3A_301 : vector<1280x128xi1>, vector<1280x128xf32>
    %get3A_303 = arith.constant 0 : index
    %get3A_304 = arith.constant 0 : index
    %get3A_305 = vector.load %arg13[%get3A_303, %get3A_304] : memref<128x128xf32, #tpu.memory_space<vmem>>, vector<128x128xf32>
    %dot_general3A_306 = arith.constant dense<0.000000e+00> : vector<1280x128xf32>
    %dot_general3A_307 = tpu.matmul %select_n3A_302, %get3A_305, %dot_general3A_306 {dimension_numbers = #tpu.dot_dimension_numbers<[1], [0], [0], [1], [0, 0, 1, 1], [], []>, transpose_lhs_hint = false} : vector<1280x128xf32>, vector<128x128xf32>, vector<1280x128xf32> -> vector<1280x128xf32>
    %get3A_308 = arith.constant 0 : index
    %get3A_309 = arith.constant 0 : index
    %get3A_310 = vector.load %arg14[%get3A_308, %get3A_309] : memref<1x128xf32, #tpu.memory_space<vmem>>, vector<1x128xf32>
    %add3A_311 = vector.broadcast %get3A_310 : vector<1x128xf32> to vector<1280x128xf32>
    %add3A_312 = arith.addf %dot_general3A_307, %add3A_311 : vector<1280x128xf32>
    %gt3A_313 = arith.constant 0.000000e+00 : f32
    %gt3A_314 = vector.broadcast %gt3A_313 : f32 to vector<1280x128xf32>
    %gt3A_315 = arith.cmpf ogt, %add3A_312, %gt3A_314 : vector<1280x128xf32>
    %mul3A_316 = arith.constant 2.500000e-01 : f32
    %mul3A_317 = vector.broadcast %mul3A_316 : f32 to vector<1280x128xf32>
    %mul3A_318 = arith.mulf %mul3A_317, %add3A_312 : vector<1280x128xf32>
    %select_n3A_319 = arith.select %gt3A_315, %add3A_312, %mul3A_318 : vector<1280x128xi1>, vector<1280x128xf32>
    %get3A_320 = arith.constant 0 : index
    %get3A_321 = arith.constant 0 : index
    %get3A_322 = vector.load %arg15[%get3A_320, %get3A_321] : memref<128x128xf32, #tpu.memory_space<vmem>>, vector<128x128xf32>
    %dot_general3A_323 = arith.constant dense<0.000000e+00> : vector<1280x128xf32>
    %dot_general3A_324 = tpu.matmul %select_n3A_319, %get3A_322, %dot_general3A_323 {dimension_numbers = #tpu.dot_dimension_numbers<[1], [0], [0], [1], [0, 0, 1, 1], [], []>, transpose_lhs_hint = false} : vector<1280x128xf32>, vector<128x128xf32>, vector<1280x128xf32> -> vector<1280x128xf32>
    %get3A_325 = arith.constant 0 : index
    %get3A_326 = arith.constant 0 : index
    %get3A_327 = vector.load %arg16[%get3A_325, %get3A_326] : memref<1x128xf32, #tpu.memory_space<vmem>>, vector<1x128xf32>
    %add3A_328 = vector.broadcast %get3A_327 : vector<1x128xf32> to vector<1280x128xf32>
    %add3A_329 = arith.addf %dot_general3A_324, %add3A_328 : vector<1280x128xf32>
    %swap3A = arith.constant 0 : index
    %swap3A_330 = arith.constant 0 : index
    %swap3A_331 = vector.load %arg17[%swap3A, %swap3A_330] : memref<1280x128xf32, #tpu.memory_space<vmem>>, vector<1280x128xf32>
    tpu.vector_store %arg17[%swap3A, %swap3A_330], %add3A_329 {strides = array<i32>} : memref<1280x128xf32, #tpu.memory_space<vmem>>, vector<1280x128xf32>,
    return
  }
  func.func @transform_0(%arg0: i32) -> (i32, i32) {
    %c0_i32 = arith.constant 0 : i32
    %c0_i32_0 = arith.constant 0 : i32
    return %arg0, %c0_i32 : i32, i32
  }
  func.func @transform_1(%arg0: i32) -> (i32, i32) {
    %c0_i32 = arith.constant 0 : i32
    %c0_i32_0 = arith.constant 0 : i32
    return %arg0, %c0_i32 : i32, i32
  }
  func.func @transform_2(%arg0: i32) -> (i32, i32) {
    %c0_i32 = arith.constant 0 : i32
    %c0_i32_0 = arith.constant 0 : i32
    return %arg0, %c0_i32 : i32, i32
  }
  func.func @transform_3(%arg0: i32) -> (i32, i32) {
    %c0_i32 = arith.constant 0 : i32
    %c0_i32_0 = arith.constant 0 : i32
    return %arg0, %c0_i32 : i32, i32
  }
  func.func @transform_4(%arg0: i32) -> (i32, i32, i32) {
    %c0_i32 = arith.constant 0 : i32
    %c0_i32_0 = arith.constant 0 : i32
    %c0_i32_1 = arith.constant 0 : i32
    %c0_i32_2 = arith.constant 0 : i32
    return %c0_i32, %c0_i32_0, %c0_i32_1 : i32, i32, i32
  }
  func.func @transform_5(%arg0: i32) -> (i32, i32) {
    %c0_i32 = arith.constant 0 : i32
    %c0_i32_0 = arith.constant 0 : i32
    %c0_i32_1 = arith.constant 0 : i32
    return %c0_i32, %c0_i32_0 : i32, i32
  }
  func.func @transform_6(%arg0: i32) -> (i32, i32, i32) {
    %c0_i32 = arith.constant 0 : i32
    %c0_i32_0 = arith.constant 0 : i32
    %c0_i32_1 = arith.constant 0 : i32
    %c0_i32_2 = arith.constant 0 : i32
    return %c0_i32, %c0_i32_0, %c0_i32_1 : i32, i32, i32
  }
  func.func @transform_7(%arg0: i32) -> (i32, i32) {
    %c0_i32 = arith.constant 0 : i32
    %c0_i32_0 = arith.constant 0 : i32
    %c0_i32_1 = arith.constant 0 : i32
    return %c0_i32, %c0_i32_0 : i32, i32
  }
  func.func @transform_8(%arg0: i32) -> (i32, i32, i32) {
    %c0_i32 = arith.constant 0 : i32
    %c0_i32_0 = arith.constant 0 : i32
    %c0_i32_1 = arith.constant 0 : i32
    %c0_i32_2 = arith.constant 0 : i32
    return %c0_i32, %c0_i32_0, %c0_i32_1 : i32, i32, i32
  }
  func.func @transform_9(%arg0: i32) -> (i32, i32) {
    %c0_i32 = arith.constant 0 : i32
    %c0_i32_0 = arith.constant 0 : i32
    %c0_i32_1 = arith.constant 0 : i32
    return %c0_i32, %c0_i32_0 : i32, i32
  }
  func.func @transform_10(%arg0: i32) -> (i32, i32, i32) {
    %c0_i32 = arith.constant 0 : i32
    %c0_i32_0 = arith.constant 0 : i32
    %c0_i32_1 = arith.constant 0 : i32
    %c0_i32_2 = arith.constant 0 : i32
    return %c0_i32, %c0_i32_0, %c0_i32_1 : i32, i32, i32
  }
  func.func @transform_11(%arg0: i32) -> (i32, i32) {
    %c0_i32 = arith.constant 0 : i32
    %c0_i32_0 = arith.constant 0 : i32
    %c0_i32_1 = arith.constant 0 : i32
    return %c0_i32, %c0_i32_0 : i32, i32
  }
  func.func @transform_12(%arg0: i32) -> (i32, i32) {
    %c0_i32 = arith.constant 0 : i32
    %c0_i32_0 = arith.constant 0 : i32
    %c0_i32_1 = arith.constant 0 : i32
    return %c0_i32, %c0_i32_0 : i32, i32
  }
  func.func @transform_13(%arg0: i32) -> (i32, i32) {
    %c0_i32 = arith.constant 0 : i32
    %c0_i32_0 = arith.constant 0 : i32
    %c0_i32_1 = arith.constant 0 : i32
    return %c0_i32, %c0_i32_0 : i32, i32
  }
  func.func @transform_14(%arg0: i32) -> (i32, i32) {
    %c0_i32 = arith.constant 0 : i32
    %c0_i32_0 = arith.constant 0 : i32
    %c0_i32_1 = arith.constant 0 : i32
    return %c0_i32, %c0_i32_0 : i32, i32
  }
  func.func @transform_15(%arg0: i32) -> (i32, i32) {
    %c0_i32 = arith.constant 0 : i32
    %c0_i32_0 = arith.constant 0 : i32
    %c0_i32_1 = arith.constant 0 : i32
    return %c0_i32, %c0_i32_0 : i32, i32
  }
  func.func @transform_16(%arg0: i32) -> (i32, i32) {
    %c0_i32 = arith.constant 0 : i32
    %c0_i32_0 = arith.constant 0 : i32
    return %arg0, %c0_i32 : i32, i32
  }
}

</mosaic_0001>

<sc_bundles>
// kernel: kernel.11.cloned.1.call-start
scs
__scs_entry_jumppad:
0x0: {  	(pc) =	sbr.rel $0x88, $3  }
0x1: {  	(tag) =	ssettag $0x0;
	lr =	simm.s32 $0x1  }
0x2: {  	[smem:$0x3F93] =	sst lr;
	_ =	strace $0xD0000000  }
0x3: {  	_ = 	snop  }
0x4: {  	_ = 	snop  }
0x5: {  	_ = 	snop  }
0x6: {  	_ = 	snop  }
0x7: {  	_ = 	snop  }
__scs_overlays_trampoline_lowered:
0x8: {  	[smem:$0x3FA2] =	sst s0  }
0x9: {  	[smem:$0x3FA3] =	sst s1  }
0xa: {  	[smem:$0x3FA4] =	sst s2  }
0xb: {  	[smem:$0x3FA5] =	sst s3  }
0xc: {  	[smem:$0x3FA6] =	sst s4  }
0xd: {  	[smem:$0x3FA7] =	sst s5  }
0xe: {  	[smem:$0x3FA8] =	sst s6  }
0xf: {  	[smem:$0x3FA9] =	sst s7  }
0x10: {  	[smem:$0x3FAA] =	sst s8  }
0x11: {  	[smem:$0x3FAB] =	sst s9;
	s0 =	simm.s32 @!p0 $0x0  }
0x12: {  	s1 =	sld [smem:$0x3F91];
	s0 =	simm.s32 @p0 $0x1  }
0x13: {  	[smem:$0x3FAC] =	sst s0;
	s0 =	simm.s32 @!p1 $0x0  }
0x14: {  	s2 =	sld [smem:$0x3F90];
	s0 =	simm.s32 @p1 $0x1  }
0x15: {  	[smem:$0x3FAD] =	sst s0;
	s0 =	simm.s32 @!p2 $0x0  }
0x16: {  	s3 =	sld [smem:$0x3FDB];
	s0 =	simm.s32 @p2 $0x1  }
0x17: {  	s4 =	simm.s32 $0x1BF5;
	[smem:$0x3FAF] =	sst s0  }
0x18: {  	s0 =	sld [smem:$0x3F92];
	_ =	swait.ge [sflag:s4], $0x0  }
0x19: {  	s7 =	sld [smem:$0x3F93]  }
0x1a: {  	s8 =	sadd.s32 $0xFFFFE003, lr  }
0x1b: {  	s9 =	sadd.s32 $0xFFFFFEF7, lr;
	s5 =	simm.s32 $0xFFFFFFFF;
	p2 =	slt.u32 s8, $0xFFFFF086  }
0x1c: {  	p1 =	slt.u32 s9, $0xF7A;
	s5 =	simm.s32 @!p2 $0x0  }
0x1d: {  	s5 =	simm.s32 @p1 $0x1;
	p0 =	seq.s32 s7, s2  }
0x1e: {  	s7 =	smul.u32 @!p0 $0xF7A, s2;
	p2 =	seq.s32 @!p0 s5, $0x0  }
0x1f: {  	s9 =	smul.u32 $0xF7A, s1;
	s8 =	simm.s32 @!p0 $0x1BF5;
	p2 =	por !p2, p0  }
0x20: {  	[sflag:s8] =	ssyncset.s32 @!p0 $0xFFFFF086;
	s6 =	sadd.s32 @!p0 s3, s7;
	s7 =	simm.s32 @!p0 $0x108  }
0x21: {  	s3 =	sadd.s32 s3, s9;
	s6 =	sadd.s32 @!p0 $0x88, s6;
	s7 =	simm.s32 @p2 $0x1082  }
0x22: {  	[simem:s7], [sflag:s8] =	dma.local @!p0 [hbm:s6], $0xF7A  }
0x23: {  	s9 =	sor.u32 $0xD0000000, s2;
	s6 =	simm.s32 $0x108;
	_ =	swait.ge @!p0 [sflag:s8], $0x0  }
0x24: {  	s3 =	sadd.s32 $0x88, s3;
	s6 =	simm.s32 @!p1 $0x1082;
	[sflag:s4] =	ssyncset.s32 $0xFFFFF086  }
0x25: {  	[simem:s6], [sflag:s4] =	dma.local [hbm:s3], $0xF7A  }
0x26: {  	[smem:$0x3F93] =	sst s1;
	(tag) =	ssettag s2;
	_ =	strace s9  }
0x27: {  	s1 =	sld [smem:$0x3FA3]  }
0x28: {  	s2 =	sld [smem:$0x3FA4]  }
0x29: {  	s4 =	sld [smem:$0x3FA6]  }
0x2a: {  	p0 =	seq.s32 s5, $0x0;
	s5 =	sld [smem:$0x3FA7]  }
0x2b: {  	s6 =	sld [smem:$0x3FA8]  }
0x2c: {  	s7 =	sld [smem:$0x3FA9]  }
0x2d: {  	s3 =	simm.s32 $0x108;
	s8 =	sld [smem:$0x3FAA]  }
0x2e: {  	s3 =	simm.s32 @!p0 $0x1082;
	s9 =	sld [smem:$0x3FAB]  }
0x2f: {  	lr =	sadd.s32 s0, s3;
	s0 =	sld [smem:$0x3FA2]  }
0x30: {  	s3 =	sld [smem:$0x3FA5]  }
0x31: {  	[smem:$0x3FAE] =	sst s10  }
0x32: {  	s10 =	sld [smem:$0x3FAC];
	_ =	sdelay $0x3  }
0x33: {  	p0 =	seq.s32 s10, $0x1;
	s10 =	sld [smem:$0x3FAE];
	_ =	sdelay $0x3  }
0x34: {  	[smem:$0x3FAE] =	sst s10  }
0x35: {  	s10 =	sld [smem:$0x3FAD];
	_ =	sdelay $0x3  }
0x36: {  	p1 =	seq.s32 s10, $0x1;
	s10 =	sld [smem:$0x3FAE];
	_ =	sdelay $0x3  }
0x37: {  	[smem:$0x3FAE] =	sst s10  }
0x38: {  	s10 =	sld [smem:$0x3FAF]  }
0x39: {  	_ = 	snop;
	(pc) =	sbr.ind lr, $3  }
0x3a: {  	_ = 	snop  }
0x3b: {  	_ = 	snop  }
0x3c: {  	p2 =	seq.s32 s10, $0x1;
	s10 =	sld [smem:$0x3FAE]  }
0x3d: {  	_ =	shalt  }
0x3e: {  	_ =	shalt  }
0x3f: {  	_ =	shalt  }
0x40: {  	_ =	shalt  }
0x41: {  	_ =	shalt  }
0x42: {  	_ =	shalt  }
0x43: {  	_ =	shalt  }
0x44: {  	_ =	shalt  }
0x45: {  	_ =	shalt  }
0x46: {  	_ =	shalt  }
0x47: {  	_ =	shalt  }
0x48: {  	_ =	shalt  }
0x49: {  	_ =	shalt  }
0x4a: {  	_ =	shalt  }
0x4b: {  	_ =	shalt  }
0x4c: {  	_ =	shalt  }
0x4d: {  	_ =	shalt  }
0x4e: {  	_ =	shalt  }
0x4f: {  	_ =	shalt  }
0x50: {  	_ =	shalt  }
0x51: {  	_ =	shalt  }
0x52: {  	_ =	shalt  }
0x53: {  	_ =	shalt  }
0x54: {  	_ =	shalt  }
0x55: {  	_ =	shalt  }
0x56: {  	_ =	shalt  }
0x57: {  	_ =	shalt  }
0x58: {  	_ =	shalt  }
0x59: {  	_ =	shalt  }
0x5a: {  	_ =	shalt  }
0x5b: {  	_ =	shalt  }
0x5c: {  	_ =	shalt  }
0x5d: {  	_ =	shalt  }
0x5e: {  	_ =	shalt  }
0x5f: {  	_ =	shalt  }
0x60: {  	_ =	shalt  }
0x61: {  	_ =	shalt  }
0x62: {  	_ =	shalt  }
0x63: {  	_ =	shalt  }
0x64: {  	_ =	shalt  }
0x65: {  	_ =	shalt  }
0x66: {  	_ =	shalt  }
0x67: {  	_ =	shalt  }
0x68: {  	_ =	shalt  }
0x69: {  	_ =	shalt  }
0x6a: {  	_ =	shalt  }
0x6b: {  	_ =	shalt  }
0x6c: {  	_ =	shalt  }
0x6d: {  	_ =	shalt  }
0x6e: {  	_ =	shalt  }
0x6f: {  	_ =	shalt  }
0x70: {  	_ =	shalt  }
0x71: {  	_ =	shalt  }
0x72: {  	_ =	shalt  }
0x73: {  	_ =	shalt  }
0x74: {  	_ =	shalt  }
0x75: {  	_ =	shalt  }
0x76: {  	_ =	shalt  }
0x77: {  	_ =	shalt  }
0x78: {  	_ =	shalt  }
0x79: {  	_ =	shalt  }
0x7a: {  	_ =	shalt  }
0x7b: {  	_ =	shalt  }
0x7c: {  	_ =	shalt  }
0x7d: {  	_ =	shalt  }
0x7e: {  	_ =	shalt  }
0x7f: {  	_ =	shalt  }
0x80: {  	_ =	shalt  }
0x81: {  	_ =	shalt  }
0x82: {  	_ =	shalt  }
0x83: {  	_ =	shalt  }
0x84: {  	_ =	shalt  }
0x85: {  	_ =	shalt  }
0x86: {  	_ =	shalt  }
0x87: {  	_ =	shalt  }
.Lfunc_end0:
.L_simem_size_0:
called_computation_lowered:
.L_overlay_start_0:
0x88: {  	s2 =	sld [smem:$0x3FD9]  }
0x89: {  	s3 =	sld [smem:$0x3FFE];
	_ =	sdelay $0x1  }
0x8a: {  	s1 =	srdreg.scid  }
0x8b: {  	s0 =	sand.u32 $0x1, s1  }
0x8c: {  	s16 =	sshll.u32 s0, $0xA;
	s2 =	sadd.s32 s3, s2  }
0x8d: {  	s2 =	sadd.s32 s2, s16  }
0x8e: {  	[smem:$0x3FBA] =	sst s2  }
0x8f: {  	_ = 	snop  }
0x90: {  	(tm) =	ssettm $0x1  }
0x91: {  	s17 =	sld [smem:$0x3FFB];
	_ =	sdelay $0x3  }
0x92: {  	_ =	strace s17  }
0x93: {  	s2 =	sld [smem:$0x3FFC];
	_ =	sdelay $0x3  }
0x94: {  	_ =	strace s2  }
0x95: {  	s2 =	sld [smem:$0x3FFD];
	_ =	sdelay $0x3  }
0x96: {  	_ =	strace s2  }
0x97: {  	_ =	strace $0x8FFFFFFF  }
0x98: {  	s18 =	sld [smem:$0x3FDB];
	_ =	sdelay $0x1  }
0x99: {  	s19 =	simm.s32 $_scs_section_size  }
0x9a: {  	s4 =	simm.s32 $_size__tile_overlayer_lowered;
	s5 =	simm.s32 $_tile_overlayer_lowered  }
0x9b: {  	s22 =	simm.s32 $0x1BFF;
	s21 =	sshll.u32 s5, $0x1;
	s2 =	sadd.s32 s19, s18  }
0x9c: {  	s6 =	simm.s32 $0x0;
	s20 =	sshll.u32 s4, $0x1;
	s4 =	sadd.s32 s21, s2  }
0x9d: {  	[timem:s6], [sflag:s22] =	dma.local [hbm:s4], s20  }
0x9e: {  	_ =	swait.ge [sflag:s22], s20  }
0x9f: {  	s3 =	ssub.s32 $0x0, s20;
	[sflag:s22] =	ssyncset.done $0x0  }
0xa0: {  	[sflag:s22] =	ssyncadd.s32 s3;
	_ =	sdelay $0x1  }
0xa1: {  	s23 =	simm.s32 $0x1B8B  }
0xa2: {  	_ =	swait.ge [sflag:s23], $0x1  }
0xa3: {  	[sflag:s23] =	ssyncset.done $0x0  }
0xa4: {  	s25 =	simm.s32 $0x1B8E;
	s24 =	sld [smem:$0x3FFE];
	[sflag:s23] =	ssyncadd.s32 $0xFFFFFFFF  }
0xa5: {  	s26 =	simm.s32 $execute0_lowered;
	[smem:$0x3FD2] =	sst s25  }
0xa6: {  	s4 =	sshll.u32 s26, $0x1;
	_ =	strace $0x80000046;
	[dreg:$0x1] =	wrdreg $0xFFFFFFFF  }
0xa7: {  	s28 =	simm.s32 $_size_execute0_lowered;
	s2 =	sadd.s32 s2, s4;
	[dreg:$0x0] =	wrdreg $0x0  }
0xa8: {  	s4 =	sshll.u32 s28, $0x1;
	[dreg:$0x2] =	wrdreg s2  }
0xa9: {  	[dreg:$0x3] =	wrdreg s4  }
0xaa: {  	[dreg:$0x4] =	wrdreg $0xC0  }
0xab: {  	_ =	task [dreg:s6], $0x5FFFF  }
0xac: {  	[dreg:$0x1] =	wrdreg $0xFFFFFFFF  }
0xad: {  	[dreg:$0x0] =	wrdreg $0x60  }
0xae: {  	[dreg:$0x2] =	wrdreg s24  }
0xaf: {  	[dreg:$0x3] =	wrdreg $0x0  }
0xb0: {  	[dreg:$0x4] =	wrdreg $0x9  }
0xb1: {  	_ =	task.clear_ibuf [dreg:s6], $0x5FFFF;
	_ =	strace $0x90000046  }
0xb2: {  	s29 =	simm.s32 $0x9;
	_ =	strace $0x80000048  }
0xb3: {  	_ =	swait.ge [sflag:s29], $0x1  }
0xb4: {  	[sflag:s29] =	ssyncadd.s32 $0xFFFFFFFF  }
0xb5: {  	_ =	strace $0x90000048  }
0xb6: {  	_ =	sfence  }
0xb7: {  	s30 =	sld [smem:$0x0];
	_ =	sdelay $0x2  }
0xb8: {  	s31 =	sshll.u32 s1, $0xD;
	s1 =	sshrl.u32 s1, $0x2  }
0xb9: {  	s3 =	sand.u32 $0x4000, s31;
	s1 =	sadd.s32 s1, s30  }
0xba: {  	s0 =	sor.u32 s3, s0;
	s1 =	sshll.u32 s1, $0x11  }
0xbb: {  	s0 =	sor.u32 s1, s0  }
0xbc: {  	s0 =	sadd.s32 $0x8F2B, s0  }
0xbd: {  	[sflag:s0] =	ssyncadd.remote.s32 $0x1  }
0xbe: {  	_ =	sfence.sel $0xFFFF  }
0xbf: {  	[dreg:$0x0] =	wrdreg $0xFFFFFFFF;
	(pc) =	sbr.abs _section_cstart, $3  }
0xc0: {  	[dreg:$0x1] =	wrdreg $0xFFFFFFFF  }
0xc1: {  	_ =	task.clear_ibuf [dreg:s6], $0x2FFFF;
	_ =	strace $0x9FFFFFFF  }
0xc2: {  	(tm) =	ssettm $0x7FFFFFFF  }
0xc3: {  	_ =	shalt  }
tec
execute0_lowered:
.L_overlay_start_1:
0x0: {  	(tag) =	ssettag $0x1  }
0x1: {  	s5 =	rddreg [dreg:$0x0]  }
0x2: {  	s2 =	rddreg [dreg:$0x1]  }
0x3: {  	s0 =	rddreg [dreg:$0x2]  }
0x4: {  	s3 =	simm.s32 $0x0;
	s1 =	stileid.u32;
	s4 =	srdreg.scid  }
0x5: {  	s14 =	simm.s32 $0x80;
	s15 =	simm.s32 $0x1;
	s16 =	simm.s32 $0x2  }
0x6: {  	s17 =	simm.s32 $0x16700;
	s18 =	simm.s32 $0x0;
	[smem:$0x7FF] =	sst s3  }
0x7: {  	s6 =	smul.u32 $0x14000, s1;
	s7 =	sand.u32 $0x1, s4;
	s8 =	sshll.u32 s1, $0x1  }
0x8: {  	s4 =	sadd.s32 $0xD400, s5;
	s28 =	smul.u32 $0x50000, s1;
	s31 =	sshll.u32 s1, $0x6  }
0x9: {  	_ =	strace $0x80000047;
	s9 =	smul.u32 $0x140000, s7;
	s8 =	sor.u32 s7, s8  }
0xa: {  	s7 =	ssub.s32 $0x2, s7;
	s10 =	sshrl.u32 s6, $0x3;
	s8 =	smul.u32 $0x500, s8  }
0xb: {  	s29 =	sshrl.u32 s7, $0x1;
	s30 =	sshrl.u32 s28, $0x2;
	s10 =	sadd.s32 s10, s5  }
0xc: {  	s6 =	sadd.s32 s6, s9;
	s12 =	ssub.s32 s7, s29;
	s13 =	sadd.s32 s30, s2  }
0xd: {  	s6 =	sshrl.u32 s6, $0x3;
	s8 =	sadd.s32 s8, s5;
	s9 =	smax.u32 s12, $0x1  }
0xe: {  	s12 =	simm.s32 $0x16800;
	s11 =	sadd.s32 s6, s5;
	s5 =	sadd.s32 $0x35400, s10  }
0xf: {  	s6 =	sor.u32 $0x1C03, s31;
	s7 =	sadd.s32 $0x3400, s8;
	s10 =	sshrl.u32 s13, $0x3  }
0x10: {  	s13 =	simm.s32 $0x14000;
	s8 =	sadd.s32 $0x5D400, s11;
	s11 =	simm.s32 $0x3  }
.LBB2_1:
0x11: {  	[spmem:s10], [sflag:s6] =	dma.local [hbm:s5], $0x2800  }
0x12: {  	_ =	swait.ge [sflag:s11], $0x2800  }
0x13: {  	[sflag:s11] =	ssyncset.done $0x0  }
0x14: {  	[sflag:s11] =	ssyncadd.s32 $0xFFFFD800  }
0x15: {  	[tilespmem:s12], [sflag:$0x3] =	stream.linear.gather [hbm4b:s4+s3], $0x4000, $0x38;
	[tilespmem:$0x1A800] =	vst v63  }
0x16: {  	_ =	swait.ge [sflag:s11], $0x4000  }
0x17: {  	[sflag:s11] =	ssyncset.done $0x0  }
0x18: {  	[sflag:s11] =	ssyncadd.s32 $0xFFFFC000  }
0x19: {  	[tilespmem:s13], [sflag:$0x3] =	stream.linear.gather [hbm4b:s7+s3], $0x2780, $0x38;
	[tilespmem:$0x1A800] =	vst v63  }
0x1a: {  	_ =	swait.ge [sflag:s11], $0x2780  }
0x1b: {  	[sflag:s11] =	ssyncset.done $0x0  }
0x1c: {  	[sflag:s11] =	ssyncadd.s32 $0xFFFFD880  }
0x1d: {  	s19 =	simm.s32 $0x14000;
	[bflag:$0x0] =	sbarrier.arrive $0xFFFF  }
0x1e: {  	[spmem:s2] =	stream.indirect.scatter.add.f32 [tilespmem:s12], [sflag:$0x1], $0x80, s19, s14, $0xb8;
	[tilespmem:$0x1A800] =	vst v63  }
0x1f: {  	s31 =	simm.s32 $0x14080  }
0x20: {  	[spmem:s2] =	stream.indirect.scatter.add.f32 [tilespmem:s12], [sflag:$0x2], $0x80, s31, s14, $0xb8;
	[tilespmem:$0x1A800] =	vst v63  }
0x21: {  	_ =	swait.ge [sflag:s15], $0x4000  }
0x22: {  	[sflag:s15] =	ssyncset.done $0x0  }
0x23: {  	[sflag:s15] =	ssyncadd.s32 $0xFFFFC000  }
0x24: {  	_ =	swait.ge [sflag:s16], $0x4000  }
0x25: {  	s20 =	simm.s32 $0x800;
	s19 =	simm.s32 $0x100;
	[sflag:s16] =	ssyncset.done $0x0  }
.LBB2_2:
0x26: {  	s21 =	sadd.s32 $0x14000, s19  }
0x27: {  	[sflag:s16] =	ssyncadd.s32 $0xFFFFC000;
	s22 =	smov.u32 s20;
	s23 =	sadd.s32 $0x400, s20  }
0x28: {  	[spmem:s2] =	stream.indirect.scatter.add.f32 [tilespmem:s12], [sflag:$0x1], $0x80, s21, s14, $0xb8;
	[tilespmem:$0x1A800] =	vst v63  }
0x29: {  	p0 =	sne.s32 s20, $0x9800;
	s19 =	sadd.s32 $0x14080, s19  }
0x2a: {  	[spmem:s2] =	stream.indirect.scatter.add.f32 [tilespmem:s12], [sflag:$0x2], $0x80, s19, s14, $0xb8;
	[tilespmem:$0x1A800] =	vst v63  }
.Ltmp0:
0x2b: {  	_ =	swait.ge [sflag:s15], $0x4000;
	(pc) =	sbr.rel @p0 .LBB2_2-.Ltmp0, $4  }
0x2c: {  	[sflag:s15] =	ssyncset.done $0x0  }
0x2d: {  	[sflag:s15] =	ssyncadd.s32 $0xFFFFC000  }
0x2e: {  	_ =	swait.ge [sflag:s16], $0x4000  }
0x2f: {  	s20 =	smov.u32 s23;
	s19 =	sshra.s32 s22, $0x2;
	[sflag:s16] =	ssyncset.done $0x0  }
0x30: {  	s20 =	sadd.s32 $0x14000, s19;
	[sflag:s16] =	ssyncadd.s32 $0xFFFFC000  }
0x31: {  	[spmem:s2] =	stream.indirect.scatter.add.f32 [tilespmem:s12], [sflag:$0x1], $0x80, s20, s14, $0xb8;
	[tilespmem:$0x1A800] =	vst v63  }
0x32: {  	s31 =	sadd.s32 $0x14080, s19  }
0x33: {  	[spmem:s2] =	stream.indirect.scatter.add.f32 [tilespmem:s12], [sflag:$0x2], $0x80, s31, s14, $0xb8;
	[tilespmem:$0x1A800] =	vst v63  }
0x34: {  	_ =	swait.ge [sflag:s15], $0x4000  }
0x35: {  	[sflag:s15] =	ssyncset.done $0x0  }
0x36: {  	[sflag:s15] =	ssyncadd.s32 $0xFFFFC000  }
0x37: {  	_ =	swait.ge [sflag:s16], $0x4000  }
0x38: {  	[sflag:s16] =	ssyncset.done $0x0  }
0x39: {  	[sflag:s16] =	ssyncadd.s32 $0xFFFFC000  }
0x3a: {  	[spmem:s2] =	stream.indirect.scatter.add.f32 [tilespmem:s12], [sflag:$0x1], $0x80, s17, s14, $0xb8;
	[tilespmem:$0x1A800] =	vst v63  }
0x3b: {  	_ =	swait.ge [sflag:s15], $0x4000  }
0x3c: {  	s18 =	sadd.s32 $0x1, s18;
	[sflag:s15] =	ssyncset.done $0x0  }
0x3d: {  	p0 =	sne.s32 s18, s9;
	[sflag:s15] =	ssyncadd.s32 $0xFFFFC000  }
.Ltmp1:
0x3e: {  	[bflag:$0x0] =	sbarrier.arrive $0xFFFF;
	(pc) =	sbr.rel @p0 .LBB2_1-.Ltmp1, $4  }
0x3f: {  	[hbm:s8], [sflag:s6] =	dma.local [spmem:s10], $0x2800  }
0x40: {  	_ =	swait.ge [sflag:s11], $0x2800  }
0x41: {  	[sflag:s11] =	ssyncset.done $0x0  }
0x42: {  	[sflag:s11] =	ssyncadd.s32 $0xFFFFD800  }
0x43: {  	_ =	sfence.sel $0x180000  }
0x44: {  	[bflag:$0x0] =	sbarrier.arrive $0xFFFF  }
0x45: {  	p0 =	sne.s32 s1, $0x0;
	_ =	strace $0x90000047  }
0x46: {  	s0 =	sadd.s32 @!p0 $0x100000, s0;
	[bflag:$0x2] =	sbarrier.arrive $0xFFFF  }
0x47: {  	[sflag:s0] =	ssyncadd.tile.s32 @!p0 $0x1;
	_ =	shalt  }
.Lfunc_end2:
_tile_overlayer_lowered:
.L_overlay_start_2:
0x48: {  	(tag) =	ssettag $0x2  }
0x49: {  	s0 =	rddreg [dreg:$0x0];
	s2 =	stileid.u32  }
0x4a: {  	s1 =	rddreg [dreg:$0x1];
	p0 =	sne.s32 s2, $0x0  }
0x4b: {  	s3 =	rddreg [dreg:$0x2];
	[bflag:$0x3] =	sbarrier.arrive $0xFFFF;
	s2 =	simm.s32 @!p0 $0x1C03  }
0x4c: {  	[timem:s3], [sflag:s2] =	dma.local @!p0 [hbm:s0], s1  }
0x4d: {  	s0 =	simm.s32 @!p0 $0x3  }
0x4e: {  	_ =	swait.ge @!p0 [sflag:s0], s1  }
0x4f: {  	s1 =	ssub.s32 @!p0 $0x0, s1;
	[sflag:s0] =	ssyncset.done @!p0 $0x0  }
0x50: {  	[sflag:s0] =	ssyncadd.s32 @!p0 s1  }
0x51: {  	[bflag:$0x3] =	sbarrier.arrive $0xFFFF  }
0x52: {  	_ =	shalt  }

// kernel: kernel.14.cloned.1.call-start
scs
__scs_entry_jumppad:
0x0: {  	(pc) =	sbr.rel $0x88, $3  }
0x1: {  	(tag) =	ssettag $0x0;
	lr =	simm.s32 $0x1  }
0x2: {  	[smem:$0x3F93] =	sst lr;
	_ =	strace $0xD0000000  }
0x3: {  	_ = 	snop  }
0x4: {  	_ = 	snop  }
0x5: {  	_ = 	snop  }
0x6: {  	_ = 	snop  }
0x7: {  	_ = 	snop  }
__scs_overlays_trampoline_lowered:
0x8: {  	[smem:$0x3FA2] =	sst s0  }
0x9: {  	[smem:$0x3FA3] =	sst s1  }
0xa: {  	[smem:$0x3FA4] =	sst s2  }
0xb: {  	[smem:$0x3FA5] =	sst s3  }
0xc: {  	[smem:$0x3FA6] =	sst s4  }
0xd: {  	[smem:$0x3FA7] =	sst s5  }
0xe: {  	[smem:$0x3FA8] =	sst s6  }
0xf: {  	[smem:$0x3FA9] =	sst s7  }
0x10: {  	[smem:$0x3FAA] =	sst s8  }
0x11: {  	[smem:$0x3FAB] =	sst s9;
	s0 =	simm.s32 @!p0 $0x0  }
0x12: {  	s1 =	sld [smem:$0x3F91];
	s0 =	simm.s32 @p0 $0x1  }
0x13: {  	[smem:$0x3FAC] =	sst s0;
	s0 =	simm.s32 @!p1 $0x0  }
0x14: {  	s2 =	sld [smem:$0x3F90];
	s0 =	simm.s32 @p1 $0x1  }
0x15: {  	[smem:$0x3FAD] =	sst s0;
	s0 =	simm.s32 @!p2 $0x0  }
0x16: {  	s3 =	sld [smem:$0x3FDB];
	s0 =	simm.s32 @p2 $0x1  }
0x17: {  	s4 =	simm.s32 $0x1BF5;
	[smem:$0x3FAF] =	sst s0  }
0x18: {  	s0 =	sld [smem:$0x3F92];
	_ =	swait.ge [sflag:s4], $0x0  }
0x19: {  	s7 =	sld [smem:$0x3F93]  }
0x1a: {  	s8 =	sadd.s32 $0xFFFFE003, lr  }
0x1b: {  	s9 =	sadd.s32 $0xFFFFFEF7, lr;
	s5 =	simm.s32 $0xFFFFFFFF;
	p2 =	slt.u32 s8, $0xFFFFF086  }
0x1c: {  	p1 =	slt.u32 s9, $0xF7A;
	s5 =	simm.s32 @!p2 $0x0  }
0x1d: {  	s5 =	simm.s32 @p1 $0x1;
	p0 =	seq.s32 s7, s2  }
0x1e: {  	s7 =	smul.u32 @!p0 $0xF7A, s2;
	p2 =	seq.s32 @!p0 s5, $0x0  }
0x1f: {  	s9 =	smul.u32 $0xF7A, s1;
	s8 =	simm.s32 @!p0 $0x1BF5;
	p2 =	por !p2, p0  }
0x20: {  	[sflag:s8] =	ssyncset.s32 @!p0 $0xFFFFF086;
	s6 =	sadd.s32 @!p0 s3, s7;
	s7 =	simm.s32 @!p0 $0x108  }
0x21: {  	s3 =	sadd.s32 s3, s9;
	s6 =	sadd.s32 @!p0 $0x88, s6;
	s7 =	simm.s32 @p2 $0x1082  }
0x22: {  	[simem:s7], [sflag:s8] =	dma.local @!p0 [hbm:s6], $0xF7A  }
0x23: {  	s9 =	sor.u32 $0xD0000000, s2;
	s6 =	simm.s32 $0x108;
	_ =	swait.ge @!p0 [sflag:s8], $0x0  }
0x24: {  	s3 =	sadd.s32 $0x88, s3;
	s6 =	simm.s32 @!p1 $0x1082;
	[sflag:s4] =	ssyncset.s32 $0xFFFFF086  }
0x25: {  	[simem:s6], [sflag:s4] =	dma.local [hbm:s3], $0xF7A  }
0x26: {  	[smem:$0x3F93] =	sst s1;
	(tag) =	ssettag s2;
	_ =	strace s9  }
0x27: {  	s1 =	sld [smem:$0x3FA3]  }
0x28: {  	s2 =	sld [smem:$0x3FA4]  }
0x29: {  	s4 =	sld [smem:$0x3FA6]  }
0x2a: {  	p0 =	seq.s32 s5, $0x0;
	s5 =	sld [smem:$0x3FA7]  }
0x2b: {  	s6 =	sld [smem:$0x3FA8]  }
0x2c: {  	s7 =	sld [smem:$0x3FA9]  }
0x2d: {  	s3 =	simm.s32 $0x108;
	s8 =	sld [smem:$0x3FAA]  }
0x2e: {  	s3 =	simm.s32 @!p0 $0x1082;
	s9 =	sld [smem:$0x3FAB]  }
0x2f: {  	lr =	sadd.s32 s0, s3;
	s0 =	sld [smem:$0x3FA2]  }
0x30: {  	s3 =	sld [smem:$0x3FA5]  }
0x31: {  	[smem:$0x3FAE] =	sst s10  }
0x32: {  	s10 =	sld [smem:$0x3FAC];
	_ =	sdelay $0x3  }
0x33: {  	p0 =	seq.s32 s10, $0x1;
	s10 =	sld [smem:$0x3FAE];
	_ =	sdelay $0x3  }
0x34: {  	[smem:$0x3FAE] =	sst s10  }
0x35: {  	s10 =	sld [smem:$0x3FAD];
	_ =	sdelay $0x3  }
0x36: {  	p1 =	seq.s32 s10, $0x1;
	s10 =	sld [smem:$0x3FAE];
	_ =	sdelay $0x3  }
0x37: {  	[smem:$0x3FAE] =	sst s10  }
0x38: {  	s10 =	sld [smem:$0x3FAF]  }
0x39: {  	_ = 	snop;
	(pc) =	sbr.ind lr, $3  }
0x3a: {  	_ = 	snop  }
0x3b: {  	_ = 	snop  }
0x3c: {  	p2 =	seq.s32 s10, $0x1;
	s10 =	sld [smem:$0x3FAE]  }
0x3d: {  	_ =	shalt  }
0x3e: {  	_ =	shalt  }
0x3f: {  	_ =	shalt  }
0x40: {  	_ =	shalt  }
0x41: {  	_ =	shalt  }
0x42: {  	_ =	shalt  }
0x43: {  	_ =	shalt  }
0x44: {  	_ =	shalt  }
0x45: {  	_ =	shalt  }
0x46: {  	_ =	shalt  }
0x47: {  	_ =	shalt  }
0x48: {  	_ =	shalt  }
0x49: {  	_ =	shalt  }
0x4a: {  	_ =	shalt  }
0x4b: {  	_ =	shalt  }
0x4c: {  	_ =	shalt  }
0x4d: {  	_ =	shalt  }
0x4e: {  	_ =	shalt  }
0x4f: {  	_ =	shalt  }
0x50: {  	_ =	shalt  }
0x51: {  	_ =	shalt  }
0x52: {  	_ =	shalt  }
0x53: {  	_ =	shalt  }
0x54: {  	_ =	shalt  }
0x55: {  	_ =	shalt  }
0x56: {  	_ =	shalt  }
0x57: {  	_ =	shalt  }
0x58: {  	_ =	shalt  }
0x59: {  	_ =	shalt  }
0x5a: {  	_ =	shalt  }
0x5b: {  	_ =	shalt  }
0x5c: {  	_ =	shalt  }
0x5d: {  	_ =	shalt  }
0x5e: {  	_ =	shalt  }
0x5f: {  	_ =	shalt  }
0x60: {  	_ =	shalt  }
0x61: {  	_ =	shalt  }
0x62: {  	_ =	shalt  }
0x63: {  	_ =	shalt  }
0x64: {  	_ =	shalt  }
0x65: {  	_ =	shalt  }
0x66: {  	_ =	shalt  }
0x67: {  	_ =	shalt  }
0x68: {  	_ =	shalt  }
0x69: {  	_ =	shalt  }
0x6a: {  	_ =	shalt  }
0x6b: {  	_ =	shalt  }
0x6c: {  	_ =	shalt  }
0x6d: {  	_ =	shalt  }
0x6e: {  	_ =	shalt  }
0x6f: {  	_ =	shalt  }
0x70: {  	_ =	shalt  }
0x71: {  	_ =	shalt  }
0x72: {  	_ =	shalt  }
0x73: {  	_ =	shalt  }
0x74: {  	_ =	shalt  }
0x75: {  	_ =	shalt  }
0x76: {  	_ =	shalt  }
0x77: {  	_ =	shalt  }
0x78: {  	_ =	shalt  }
0x79: {  	_ =	shalt  }
0x7a: {  	_ =	shalt  }
0x7b: {  	_ =	shalt  }
0x7c: {  	_ =	shalt  }
0x7d: {  	_ =	shalt  }
0x7e: {  	_ =	shalt  }
0x7f: {  	_ =	shalt  }
0x80: {  	_ =	shalt  }
0x81: {  	_ =	shalt  }
0x82: {  	_ =	shalt  }
0x83: {  	_ =	shalt  }
0x84: {  	_ =	shalt  }
0x85: {  	_ =	shalt  }
0x86: {  	_ =	shalt  }
0x87: {  	_ =	shalt  }
.Lfunc_end0:
.L_simem_size_0:
called_computation.1_lowered:
.L_overlay_start_0:
0x88: {  	s2 =	sld [smem:$0x3FD9]  }
0x89: {  	s3 =	sld [smem:$0x3FFE];
	_ =	sdelay $0x1  }
0x8a: {  	s1 =	srdreg.scid  }
0x8b: {  	s0 =	sand.u32 $0x1, s1  }
0x8c: {  	s16 =	sshll.u32 s0, $0xA;
	s2 =	sadd.s32 s3, s2  }
0x8d: {  	s2 =	sadd.s32 s2, s16  }
0x8e: {  	[smem:$0x3FBA] =	sst s2  }
0x8f: {  	_ = 	snop  }
0x90: {  	(tm) =	ssettm $0x1  }
0x91: {  	s17 =	sld [smem:$0x3FFB];
	_ =	sdelay $0x3  }
0x92: {  	_ =	strace s17  }
0x93: {  	s2 =	sld [smem:$0x3FFC];
	_ =	sdelay $0x3  }
0x94: {  	_ =	strace s2  }
0x95: {  	s2 =	sld [smem:$0x3FFD];
	_ =	sdelay $0x3  }
0x96: {  	_ =	strace s2  }
0x97: {  	_ =	strace $0x8FFFFFFF  }
0x98: {  	s18 =	sld [smem:$0x3FDB];
	_ =	sdelay $0x1  }
0x99: {  	s19 =	simm.s32 $_scs_section_size  }
0x9a: {  	s4 =	simm.s32 $_size__tile_overlayer_lowered;
	s5 =	simm.s32 $_tile_overlayer_lowered  }
0x9b: {  	s22 =	simm.s32 $0x1BFF;
	s21 =	sshll.u32 s5, $0x1;
	s2 =	sadd.s32 s19, s18  }
0x9c: {  	s6 =	simm.s32 $0x0;
	s20 =	sshll.u32 s4, $0x1;
	s4 =	sadd.s32 s21, s2  }
0x9d: {  	[timem:s6], [sflag:s22] =	dma.local [hbm:s4], s20  }
0x9e: {  	_ =	swait.ge [sflag:s22], s20  }
0x9f: {  	s3 =	ssub.s32 $0x0, s20;
	[sflag:s22] =	ssyncset.done $0x0  }
0xa0: {  	[sflag:s22] =	ssyncadd.s32 s3;
	_ =	sdelay $0x1  }
0xa1: {  	s23 =	simm.s32 $0x1B8B  }
0xa2: {  	_ =	swait.ge [sflag:s23], $0x1  }
0xa3: {  	[sflag:s23] =	ssyncset.done $0x0  }
0xa4: {  	s25 =	simm.s32 $0x1B8E;
	s24 =	sld [smem:$0x3FFE];
	[sflag:s23] =	ssyncadd.s32 $0xFFFFFFFF  }
0xa5: {  	s26 =	simm.s32 $execute0_lowered;
	[smem:$0x3FD2] =	sst s25  }
0xa6: {  	s4 =	sshll.u32 s26, $0x1;
	_ =	strace $0x80000049;
	[dreg:$0x1] =	wrdreg $0xFFFFFFFF  }
0xa7: {  	s28 =	simm.s32 $_size_execute0_lowered;
	s2 =	sadd.s32 s2, s4;
	[dreg:$0x0] =	wrdreg $0x0  }
0xa8: {  	s4 =	sshll.u32 s28, $0x1;
	[dreg:$0x2] =	wrdreg s2  }
0xa9: {  	[dreg:$0x3] =	wrdreg s4  }
0xaa: {  	[dreg:$0x4] =	wrdreg $0xC0  }
0xab: {  	_ =	task [dreg:s6], $0x5FFFF  }
0xac: {  	[dreg:$0x1] =	wrdreg $0xFFFFFFFF  }
0xad: {  	[dreg:$0x0] =	wrdreg $0x60  }
0xae: {  	[dreg:$0x2] =	wrdreg s24  }
0xaf: {  	[dreg:$0x3] =	wrdreg $0x0  }
0xb0: {  	[dreg:$0x4] =	wrdreg $0x9  }
0xb1: {  	_ =	task.clear_ibuf [dreg:s6], $0x5FFFF;
	_ =	strace $0x90000049  }
0xb2: {  	s29 =	simm.s32 $0x9;
	_ =	strace $0x8000004B  }
0xb3: {  	_ =	swait.ge [sflag:s29], $0x1  }
0xb4: {  	[sflag:s29] =	ssyncadd.s32 $0xFFFFFFFF  }
0xb5: {  	_ =	strace $0x9000004B  }
0xb6: {  	_ =	sfence  }
0xb7: {  	s30 =	sld [smem:$0x0];
	_ =	sdelay $0x2  }
0xb8: {  	s31 =	sshll.u32 s1, $0xD;
	s1 =	sshrl.u32 s1, $0x2  }
0xb9: {  	s3 =	sand.u32 $0x4000, s31;
	s1 =	sadd.s32 s1, s30  }
0xba: {  	s0 =	sor.u32 s3, s0;
	s1 =	sshll.u32 s1, $0x11  }
0xbb: {  	s0 =	sor.u32 s1, s0  }
0xbc: {  	s0 =	sadd.s32 $0x8F2B, s0  }
0xbd: {  	[sflag:s0] =	ssyncadd.remote.s32 $0x1  }
0xbe: {  	_ =	sfence.sel $0xFFFF  }
0xbf: {  	[dreg:$0x0] =	wrdreg $0xFFFFFFFF;
	(pc) =	sbr.abs _section_cstart, $3  }
0xc0: {  	[dreg:$0x1] =	wrdreg $0xFFFFFFFF  }
0xc1: {  	_ =	task.clear_ibuf [dreg:s6], $0x2FFFF;
	_ =	strace $0x9FFFFFFF  }
0xc2: {  	(tm) =	ssettm $0x7FFFFFFF  }
0xc3: {  	_ =	shalt  }
tec
execute0_lowered:
.L_overlay_start_1:
0x0: {  	(tag) =	ssettag $0x1  }
0x1: {  	s5 =	rddreg [dreg:$0x0]  }
0x2: {  	s1 =	rddreg [dreg:$0x1]  }
0x3: {  	s2 =	srdreg.scid;
	s0 =	rddreg [dreg:$0x2];
	s3 =	simm.s32 $0x0  }
0x4: {  	s13 =	simm.s32 $0x14000;
	s14 =	simm.s32 $0x16800;
	s15 =	simm.s32 $0x80  }
0x5: {  	s16 =	simm.s32 $0x19000;
	s17 =	simm.s32 $0x1;
	s18 =	simm.s32 $0x0  }
0x6: {  	s6 =	sand.u32 $0x1, s2;
	s2 =	stileid.u32;
	[smem:$0x7FF] =	sst s3  }
0x7: {  	s4 =	sadd.s32 $0xD400, s5;
	s10 =	sadd.s32 $0x35400, s5;
	s7 =	smul.u32 $0x140000, s6  }
0x8: {  	s8 =	sshll.u32 s2, $0x1;
	s9 =	smul.u32 $0x14000, s2;
	_ =	strace $0x8000004A  }
0x9: {  	s28 =	ssub.s32 $0x2, s6;
	s11 =	smul.u32 $0x50000, s2;
	p0 =	seq.s32 s6, $0x0  }
0xa: {  	s12 =	smul.u32 $0x2800, s2;
	s31 =	sshll.u32 s2, $0x6;
	s8 =	sor.u32 s6, s8  }
0xb: {  	s29 =	sshrl.u32 s28, $0x1;
	s10 =	smov.u32 @p0 s4;
	s8 =	smul.u32 $0x500, s8  }
0xc: {  	s7 =	sadd.s32 s9, s7;
	s9 =	ssub.s32 s28, s29;
	s30 =	sshrl.u32 s11, $0x2  }
0xd: {  	s7 =	sshrl.u32 s7, $0x3;
	s11 =	sadd.s32 s30, s1;
	s8 =	sadd.s32 s8, s5  }
0xe: {  	s7 =	sadd.s32 s7, s5;
	s11 =	sshrl.u32 s11, $0x3;
	s5 =	sadd.s32 $0xAD400, s8  }
0xf: {  	s6 =	sadd.s32 $0x3400, s8;
	s7 =	sadd.s32 $0x5D400, s7;
	s8 =	smax.u32 s9, $0x1  }
0x10: {  	s9 =	sadd.s32 s10, s12;
	s10 =	sor.u32 $0x1C02, s31;
	s12 =	simm.s32 $0x2  }
.LBB2_1:
0x11: {  	[spmem:s11], [sflag:s10] =	dma.local [hbm:s9], $0x2800  }
0x12: {  	_ =	swait.ge [sflag:s12], $0x2800  }
0x13: {  	[sflag:s12] =	ssyncset.done $0x0  }
0x14: {  	[sflag:s12] =	ssyncadd.s32 $0xFFFFD800  }
0x15: {  	[tilespmem:s13], [sflag:$0x2] =	stream.linear.gather [hbm4b:s5+s3], $0x2780, $0x38;
	[tilespmem:$0x1D000] =	vst v63  }
0x16: {  	_ =	swait.ge [sflag:s12], $0x2780  }
0x17: {  	[sflag:s12] =	ssyncset.done $0x0  }
0x18: {  	[sflag:s12] =	ssyncadd.s32 $0xFFFFD880  }
0x19: {  	[tilespmem:s14], [sflag:$0x2] =	stream.linear.gather [hbm4b:s6+s3], $0x2780, $0x38;
	[tilespmem:$0x1D000] =	vst v63  }
0x1a: {  	_ =	swait.ge [sflag:s12], $0x2780  }
0x1b: {  	[sflag:s12] =	ssyncset.done $0x0  }
0x1c: {  	[sflag:s12] =	ssyncadd.s32 $0xFFFFD880  }
0x1d: {  	s19 =	simm.s32 $0x14000;
	[bflag:$0x0] =	sbarrier.arrive $0xFFFF  }
0x1e: {  	[tilespmem:s16], [sflag:$0x1] =	stream.indirect.gather [hbm4b:s4+s15], $0x80, s19, s15, $0xb8;
	[tilespmem:$0x1D000] =	vst v63  }
0x1f: {  	_ =	swait.ge [sflag:s17], $0x4000  }
0x20: {  	[sflag:s17] =	ssyncset.done $0x0  }
0x21: {  	s31 =	simm.s32 $0x16800;
	[sflag:s17] =	ssyncadd.s32 $0xFFFFC000  }
0x22: {  	[spmem:s1] =	stream.indirect.scatter.add.f32 [tilespmem:s16], [sflag:$0x2], $0x80, s31, s15, $0xb8;
	[tilespmem:$0x1D000] =	vst v63  }
0x23: {  	_ =	swait.ge [sflag:s12], $0x4000  }
0x24: {  	s20 =	simm.s32 $0x400;
	s19 =	simm.s32 $0x80;
	[sflag:s12] =	ssyncset.done $0x0  }
.LBB2_2:
0x25: {  	s21 =	sadd.s32 $0x14000, s19  }
0x26: {  	[sflag:s12] =	ssyncadd.s32 $0xFFFFC000;
	s22 =	smov.u32 s20;
	s23 =	sadd.s32 $0x200, s20  }
0x27: {  	[tilespmem:s16], [sflag:$0x1] =	stream.indirect.gather [hbm4b:s4+s15], $0x80, s21, s15, $0xb8;
	[tilespmem:$0x1D000] =	vst v63  }
0x28: {  	p0 =	sne.s32 s20, $0x9C00;
	_ =	swait.ge [sflag:s17], $0x4000  }
.Ltmp0:
0x29: {  	[sflag:s17] =	ssyncset.done $0x0;
	(pc) =	sbr.rel @p0 .LBB2_2-.Ltmp0, $4  }
0x2a: {  	s19 =	sadd.s32 $0x16800, s19;
	[sflag:s17] =	ssyncadd.s32 $0xFFFFC000  }
0x2b: {  	[spmem:s1] =	stream.indirect.scatter.add.f32 [tilespmem:s16], [sflag:$0x2], $0x80, s19, s15, $0xb8;
	[tilespmem:$0x1D000] =	vst v63  }
0x2c: {  	_ =	swait.ge [sflag:s12], $0x4000  }
0x2d: {  	s20 =	smov.u32 s23;
	s19 =	sshra.s32 s22, $0x2;
	[sflag:s12] =	ssyncset.done $0x0  }
0x2e: {  	s20 =	sadd.s32 $0x14000, s19;
	[sflag:s12] =	ssyncadd.s32 $0xFFFFC000  }
0x2f: {  	[tilespmem:s16], [sflag:$0x1] =	stream.indirect.gather [hbm4b:s4+s15], $0x80, s20, s15, $0xb8;
	[tilespmem:$0x1D000] =	vst v63  }
0x30: {  	_ =	swait.ge [sflag:s17], $0x4000  }
0x31: {  	[sflag:s17] =	ssyncset.done $0x0  }
0x32: {  	s31 =	sadd.s32 $0x16800, s19;
	[sflag:s17] =	ssyncadd.s32 $0xFFFFC000  }
0x33: {  	[spmem:s1] =	stream.indirect.scatter.add.f32 [tilespmem:s16], [sflag:$0x2], $0x80, s31, s15, $0xb8;
	[tilespmem:$0x1D000] =	vst v63  }
0x34: {  	_ =	swait.ge [sflag:s12], $0x4000  }
0x35: {  	s18 =	sadd.s32 $0x1, s18;
	[sflag:s12] =	ssyncset.done $0x0  }
0x36: {  	p0 =	sne.s32 s18, s8;
	[sflag:s12] =	ssyncadd.s32 $0xFFFFC000  }
.Ltmp1:
0x37: {  	[bflag:$0x0] =	sbarrier.arrive $0xFFFF;
	(pc) =	sbr.rel @p0 .LBB2_1-.Ltmp1, $4  }
0x38: {  	[hbm:s7], [sflag:s10] =	dma.local [spmem:s11], $0x2800  }
0x39: {  	_ =	swait.ge [sflag:s12], $0x2800  }
0x3a: {  	[sflag:s12] =	ssyncset.done $0x0  }
0x3b: {  	[sflag:s12] =	ssyncadd.s32 $0xFFFFD800  }
0x3c: {  	_ =	sfence.sel $0x180000  }
0x3d: {  	[bflag:$0x0] =	sbarrier.arrive $0xFFFF  }
0x3e: {  	p0 =	sne.s32 s2, $0x0;
	_ =	strace $0x9000004A  }
0x3f: {  	s0 =	sadd.s32 @!p0 $0x100000, s0;
	[bflag:$0x2] =	sbarrier.arrive $0xFFFF  }
0x40: {  	[sflag:s0] =	ssyncadd.tile.s32 @!p0 $0x1;
	_ =	shalt  }
.Lfunc_end2:
_tile_overlayer_lowered:
.L_overlay_start_2:
0x41: {  	(tag) =	ssettag $0x2  }
0x42: {  	s0 =	rddreg [dreg:$0x0];
	s2 =	stileid.u32  }
0x43: {  	s1 =	rddreg [dreg:$0x1];
	p0 =	sne.s32 s2, $0x0  }
0x44: {  	s3 =	rddreg [dreg:$0x2];
	[bflag:$0x3] =	sbarrier.arrive $0xFFFF;
	s2 =	simm.s32 @!p0 $0x1C02  }
0x45: {  	[timem:s3], [sflag:s2] =	dma.local @!p0 [hbm:s0], s1  }
0x46: {  	s0 =	simm.s32 @!p0 $0x2  }
0x47: {  	_ =	swait.ge @!p0 [sflag:s0], s1  }
0x48: {  	s1 =	ssub.s32 @!p0 $0x0, s1;
	[sflag:s0] =	ssyncset.done @!p0 $0x0  }
0x49: {  	[sflag:s0] =	ssyncadd.s32 @!p0 s1  }
0x4a: {  	[bflag:$0x3] =	sbarrier.arrive $0xFFFF  }
0x4b: {  	_ =	shalt  }

// kernel: kernel.17.cloned.1.call-start
scs
__scs_entry_jumppad:
0x0: {  	(pc) =	sbr.rel $0x88, $3  }
0x1: {  	(tag) =	ssettag $0x0;
	lr =	simm.s32 $0x1  }
0x2: {  	[smem:$0x3F93] =	sst lr;
	_ =	strace $0xD0000000  }
0x3: {  	_ = 	snop  }
0x4: {  	_ = 	snop  }
0x5: {  	_ = 	snop  }
0x6: {  	_ = 	snop  }
0x7: {  	_ = 	snop  }
__scs_overlays_trampoline_lowered:
0x8: {  	[smem:$0x3FA2] =	sst s0  }
0x9: {  	[smem:$0x3FA3] =	sst s1  }
0xa: {  	[smem:$0x3FA4] =	sst s2  }
0xb: {  	[smem:$0x3FA5] =	sst s3  }
0xc: {  	[smem:$0x3FA6] =	sst s4  }
0xd: {  	[smem:$0x3FA7] =	sst s5  }
0xe: {  	[smem:$0x3FA8] =	sst s6  }
0xf: {  	[smem:$0x3FA9] =	sst s7  }
0x10: {  	[smem:$0x3FAA] =	sst s8  }
0x11: {  	[smem:$0x3FAB] =	sst s9;
	s0 =	simm.s32 @!p0 $0x0  }
0x12: {  	s1 =	sld [smem:$0x3F91];
	s0 =	simm.s32 @p0 $0x1  }
0x13: {  	[smem:$0x3FAC] =	sst s0;
	s0 =	simm.s32 @!p1 $0x0  }
0x14: {  	s2 =	sld [smem:$0x3F90];
	s0 =	simm.s32 @p1 $0x1  }
0x15: {  	[smem:$0x3FAD] =	sst s0;
	s0 =	simm.s32 @!p2 $0x0  }
0x16: {  	s3 =	sld [smem:$0x3FDB];
	s0 =	simm.s32 @p2 $0x1  }
0x17: {  	s4 =	simm.s32 $0x1BF5;
	[smem:$0x3FAF] =	sst s0  }
0x18: {  	s0 =	sld [smem:$0x3F92];
	_ =	swait.ge [sflag:s4], $0x0  }
0x19: {  	s7 =	sld [smem:$0x3F93]  }
0x1a: {  	s8 =	sadd.s32 $0xFFFFE003, lr  }
0x1b: {  	s9 =	sadd.s32 $0xFFFFFEF7, lr;
	s5 =	simm.s32 $0xFFFFFFFF;
	p2 =	slt.u32 s8, $0xFFFFF086  }
0x1c: {  	p1 =	slt.u32 s9, $0xF7A;
	s5 =	simm.s32 @!p2 $0x0  }
0x1d: {  	s5 =	simm.s32 @p1 $0x1;
	p0 =	seq.s32 s7, s2  }
0x1e: {  	s7 =	smul.u32 @!p0 $0xF7A, s2;
	p2 =	seq.s32 @!p0 s5, $0x0  }
0x1f: {  	s9 =	smul.u32 $0xF7A, s1;
	s8 =	simm.s32 @!p0 $0x1BF5;
	p2 =	por !p2, p0  }
0x20: {  	[sflag:s8] =	ssyncset.s32 @!p0 $0xFFFFF086;
	s6 =	sadd.s32 @!p0 s3, s7;
	s7 =	simm.s32 @!p0 $0x108  }
0x21: {  	s3 =	sadd.s32 s3, s9;
	s6 =	sadd.s32 @!p0 $0x88, s6;
	s7 =	simm.s32 @p2 $0x1082  }
0x22: {  	[simem:s7], [sflag:s8] =	dma.local @!p0 [hbm:s6], $0xF7A  }
0x23: {  	s9 =	sor.u32 $0xD0000000, s2;
	s6 =	simm.s32 $0x108;
	_ =	swait.ge @!p0 [sflag:s8], $0x0  }
0x24: {  	s3 =	sadd.s32 $0x88, s3;
	s6 =	simm.s32 @!p1 $0x1082;
	[sflag:s4] =	ssyncset.s32 $0xFFFFF086  }
0x25: {  	[simem:s6], [sflag:s4] =	dma.local [hbm:s3], $0xF7A  }
0x26: {  	[smem:$0x3F93] =	sst s1;
	(tag) =	ssettag s2;
	_ =	strace s9  }
0x27: {  	s1 =	sld [smem:$0x3FA3]  }
0x28: {  	s2 =	sld [smem:$0x3FA4]  }
0x29: {  	s4 =	sld [smem:$0x3FA6]  }
0x2a: {  	p0 =	seq.s32 s5, $0x0;
	s5 =	sld [smem:$0x3FA7]  }
0x2b: {  	s6 =	sld [smem:$0x3FA8]  }
0x2c: {  	s7 =	sld [smem:$0x3FA9]  }
0x2d: {  	s3 =	simm.s32 $0x108;
	s8 =	sld [smem:$0x3FAA]  }
0x2e: {  	s3 =	simm.s32 @!p0 $0x1082;
	s9 =	sld [smem:$0x3FAB]  }
0x2f: {  	lr =	sadd.s32 s0, s3;
	s0 =	sld [smem:$0x3FA2]  }
0x30: {  	s3 =	sld [smem:$0x3FA5]  }
0x31: {  	[smem:$0x3FAE] =	sst s10  }
0x32: {  	s10 =	sld [smem:$0x3FAC];
	_ =	sdelay $0x3  }
0x33: {  	p0 =	seq.s32 s10, $0x1;
	s10 =	sld [smem:$0x3FAE];
	_ =	sdelay $0x3  }
0x34: {  	[smem:$0x3FAE] =	sst s10  }
0x35: {  	s10 =	sld [smem:$0x3FAD];
	_ =	sdelay $0x3  }
0x36: {  	p1 =	seq.s32 s10, $0x1;
	s10 =	sld [smem:$0x3FAE];
	_ =	sdelay $0x3  }
0x37: {  	[smem:$0x3FAE] =	sst s10  }
0x38: {  	s10 =	sld [smem:$0x3FAF]  }
0x39: {  	_ = 	snop;
	(pc) =	sbr.ind lr, $3  }
0x3a: {  	_ = 	snop  }
0x3b: {  	_ = 	snop  }
0x3c: {  	p2 =	seq.s32 s10, $0x1;
	s10 =	sld [smem:$0x3FAE]  }
0x3d: {  	_ =	shalt  }
0x3e: {  	_ =	shalt  }
0x3f: {  	_ =	shalt  }
0x40: {  	_ =	shalt  }
0x41: {  	_ =	shalt  }
0x42: {  	_ =	shalt  }
0x43: {  	_ =	shalt  }
0x44: {  	_ =	shalt  }
0x45: {  	_ =	shalt  }
0x46: {  	_ =	shalt  }
0x47: {  	_ =	shalt  }
0x48: {  	_ =	shalt  }
0x49: {  	_ =	shalt  }
0x4a: {  	_ =	shalt  }
0x4b: {  	_ =	shalt  }
0x4c: {  	_ =	shalt  }
0x4d: {  	_ =	shalt  }
0x4e: {  	_ =	shalt  }
0x4f: {  	_ =	shalt  }
0x50: {  	_ =	shalt  }
0x51: {  	_ =	shalt  }
0x52: {  	_ =	shalt  }
0x53: {  	_ =	shalt  }
0x54: {  	_ =	shalt  }
0x55: {  	_ =	shalt  }
0x56: {  	_ =	shalt  }
0x57: {  	_ =	shalt  }
0x58: {  	_ =	shalt  }
0x59: {  	_ =	shalt  }
0x5a: {  	_ =	shalt  }
0x5b: {  	_ =	shalt  }
0x5c: {  	_ =	shalt  }
0x5d: {  	_ =	shalt  }
0x5e: {  	_ =	shalt  }
0x5f: {  	_ =	shalt  }
0x60: {  	_ =	shalt  }
0x61: {  	_ =	shalt  }
0x62: {  	_ =	shalt  }
0x63: {  	_ =	shalt  }
0x64: {  	_ =	shalt  }
0x65: {  	_ =	shalt  }
0x66: {  	_ =	shalt  }
0x67: {  	_ =	shalt  }
0x68: {  	_ =	shalt  }
0x69: {  	_ =	shalt  }
0x6a: {  	_ =	shalt  }
0x6b: {  	_ =	shalt  }
0x6c: {  	_ =	shalt  }
0x6d: {  	_ =	shalt  }
0x6e: {  	_ =	shalt  }
0x6f: {  	_ =	shalt  }
0x70: {  	_ =	shalt  }
0x71: {  	_ =	shalt  }
0x72: {  	_ =	shalt  }
0x73: {  	_ =	shalt  }
0x74: {  	_ =	shalt  }
0x75: {  	_ =	shalt  }
0x76: {  	_ =	shalt  }
0x77: {  	_ =	shalt  }
0x78: {  	_ =	shalt  }
0x79: {  	_ =	shalt  }
0x7a: {  	_ =	shalt  }
0x7b: {  	_ =	shalt  }
0x7c: {  	_ =	shalt  }
0x7d: {  	_ =	shalt  }
0x7e: {  	_ =	shalt  }
0x7f: {  	_ =	shalt  }
0x80: {  	_ =	shalt  }
0x81: {  	_ =	shalt  }
0x82: {  	_ =	shalt  }
0x83: {  	_ =	shalt  }
0x84: {  	_ =	shalt  }
0x85: {  	_ =	shalt  }
0x86: {  	_ =	shalt  }
0x87: {  	_ =	shalt  }
.Lfunc_end0:
.L_simem_size_0:
called_computation.2_lowered:
.L_overlay_start_0:
0x88: {  	s2 =	sld [smem:$0x3FD9]  }
0x89: {  	s3 =	sld [smem:$0x3FFE];
	_ =	sdelay $0x1  }
0x8a: {  	s1 =	srdreg.scid  }
0x8b: {  	s0 =	sand.u32 $0x1, s1  }
0x8c: {  	s16 =	sshll.u32 s0, $0xA;
	s2 =	sadd.s32 s3, s2  }
0x8d: {  	s2 =	sadd.s32 s2, s16  }
0x8e: {  	[smem:$0x3FBA] =	sst s2  }
0x8f: {  	_ = 	snop  }
0x90: {  	(tm) =	ssettm $0x1  }
0x91: {  	s17 =	sld [smem:$0x3FFB];
	_ =	sdelay $0x3  }
0x92: {  	_ =	strace s17  }
0x93: {  	s2 =	sld [smem:$0x3FFC];
	_ =	sdelay $0x3  }
0x94: {  	_ =	strace s2  }
0x95: {  	s2 =	sld [smem:$0x3FFD];
	_ =	sdelay $0x3  }
0x96: {  	_ =	strace s2  }
0x97: {  	_ =	strace $0x8FFFFFFF  }
0x98: {  	s18 =	sld [smem:$0x3FDB];
	_ =	sdelay $0x1  }
0x99: {  	s19 =	simm.s32 $_scs_section_size  }
0x9a: {  	s4 =	simm.s32 $_size__tile_overlayer_lowered;
	s5 =	simm.s32 $_tile_overlayer_lowered  }
0x9b: {  	s22 =	simm.s32 $0x1BFF;
	s21 =	sshll.u32 s5, $0x1;
	s2 =	sadd.s32 s19, s18  }
0x9c: {  	s6 =	simm.s32 $0x0;
	s20 =	sshll.u32 s4, $0x1;
	s4 =	sadd.s32 s21, s2  }
0x9d: {  	[timem:s6], [sflag:s22] =	dma.local [hbm:s4], s20  }
0x9e: {  	_ =	swait.ge [sflag:s22], s20  }
0x9f: {  	s3 =	ssub.s32 $0x0, s20;
	[sflag:s22] =	ssyncset.done $0x0  }
0xa0: {  	[sflag:s22] =	ssyncadd.s32 s3;
	_ =	sdelay $0x1  }
0xa1: {  	s23 =	simm.s32 $0x1B8B  }
0xa2: {  	_ =	swait.ge [sflag:s23], $0x1  }
0xa3: {  	[sflag:s23] =	ssyncset.done $0x0  }
0xa4: {  	s25 =	simm.s32 $0x1B8E;
	s24 =	sld [smem:$0x3FFE];
	[sflag:s23] =	ssyncadd.s32 $0xFFFFFFFF  }
0xa5: {  	s26 =	simm.s32 $execute0_lowered;
	[smem:$0x3FD2] =	sst s25  }
0xa6: {  	s4 =	sshll.u32 s26, $0x1;
	_ =	strace $0x8000004C;
	[dreg:$0x1] =	wrdreg $0xFFFFFFFF  }
0xa7: {  	s28 =	simm.s32 $_size_execute0_lowered;
	s2 =	sadd.s32 s2, s4;
	[dreg:$0x0] =	wrdreg $0x0  }
0xa8: {  	s4 =	sshll.u32 s28, $0x1;
	[dreg:$0x2] =	wrdreg s2  }
0xa9: {  	[dreg:$0x3] =	wrdreg s4  }
0xaa: {  	[dreg:$0x4] =	wrdreg $0xC0  }
0xab: {  	_ =	task [dreg:s6], $0x5FFFF  }
0xac: {  	[dreg:$0x1] =	wrdreg $0xFFFFFFFF  }
0xad: {  	[dreg:$0x0] =	wrdreg $0x60  }
0xae: {  	[dreg:$0x2] =	wrdreg s24  }
0xaf: {  	[dreg:$0x3] =	wrdreg $0x0  }
0xb0: {  	[dreg:$0x4] =	wrdreg $0x9  }
0xb1: {  	_ =	task.clear_ibuf [dreg:s6], $0x5FFFF;
	_ =	strace $0x9000004C  }
0xb2: {  	s29 =	simm.s32 $0x9;
	_ =	strace $0x8000004E  }
0xb3: {  	_ =	swait.ge [sflag:s29], $0x1  }
0xb4: {  	[sflag:s29] =	ssyncadd.s32 $0xFFFFFFFF  }
0xb5: {  	_ =	strace $0x9000004E  }
0xb6: {  	_ =	sfence  }
0xb7: {  	s30 =	sld [smem:$0x0];
	_ =	sdelay $0x2  }
0xb8: {  	s31 =	sshll.u32 s1, $0xD;
	s1 =	sshrl.u32 s1, $0x2  }
0xb9: {  	s3 =	sand.u32 $0x4000, s31;
	s1 =	sadd.s32 s1, s30  }
0xba: {  	s0 =	sor.u32 s3, s0;
	s1 =	sshll.u32 s1, $0x11  }
0xbb: {  	s0 =	sor.u32 s1, s0  }
0xbc: {  	s0 =	sadd.s32 $0x8F2B, s0  }
0xbd: {  	[sflag:s0] =	ssyncadd.remote.s32 $0x1  }
0xbe: {  	_ =	sfence.sel $0xFFFF  }
0xbf: {  	[dreg:$0x0] =	wrdreg $0xFFFFFFFF;
	(pc) =	sbr.abs _section_cstart, $3  }
0xc0: {  	[dreg:$0x1] =	wrdreg $0xFFFFFFFF  }
0xc1: {  	_ =	task.clear_ibuf [dreg:s6], $0x2FFFF;
	_ =	strace $0x9FFFFFFF  }
0xc2: {  	(tm) =	ssettm $0x7FFFFFFF  }
0xc3: {  	_ =	shalt  }
tec
execute0_lowered:
.L_overlay_start_1:
0x0: {  	(tag) =	ssettag $0x1  }
0x1: {  	s5 =	rddreg [dreg:$0x0]  }
0x2: {  	s1 =	rddreg [dreg:$0x1]  }
0x3: {  	s2 =	srdreg.scid;
	s0 =	rddreg [dreg:$0x2];
	s3 =	simm.s32 $0x0  }
0x4: {  	s13 =	simm.s32 $0x14000;
	s14 =	simm.s32 $0x16800;
	s15 =	simm.s32 $0x80  }
0x5: {  	s16 =	simm.s32 $0x19000;
	s17 =	simm.s32 $0x1;
	s18 =	simm.s32 $0x0  }
0x6: {  	s6 =	sand.u32 $0x1, s2;
	s2 =	stileid.u32;
	[smem:$0x7FF] =	sst s3  }
0x7: {  	s4 =	sadd.s32 $0xD400, s5;
	s10 =	sadd.s32 $0x35400, s5;
	s7 =	smul.u32 $0x140000, s6  }
0x8: {  	s8 =	sshll.u32 s2, $0x1;
	s9 =	smul.u32 $0x14000, s2;
	_ =	strace $0x8000004D  }
0x9: {  	s28 =	ssub.s32 $0x2, s6;
	s11 =	smul.u32 $0x50000, s2;
	p0 =	seq.s32 s6, $0x0  }
0xa: {  	s12 =	smul.u32 $0x2800, s2;
	s31 =	sshll.u32 s2, $0x6;
	s8 =	sor.u32 s6, s8  }
0xb: {  	s29 =	sshrl.u32 s28, $0x1;
	s10 =	smov.u32 @p0 s4;
	s8 =	smul.u32 $0x500, s8  }
0xc: {  	s7 =	sadd.s32 s9, s7;
	s9 =	ssub.s32 s28, s29;
	s30 =	sshrl.u32 s11, $0x2  }
0xd: {  	s7 =	sshrl.u32 s7, $0x3;
	s11 =	sadd.s32 s30, s1;
	s8 =	sadd.s32 s8, s5  }
0xe: {  	s7 =	sadd.s32 s7, s5;
	s11 =	sshrl.u32 s11, $0x3;
	s5 =	sadd.s32 $0xAD400, s8  }
0xf: {  	s6 =	sadd.s32 $0x3400, s8;
	s7 =	sadd.s32 $0x5D400, s7;
	s8 =	smax.u32 s9, $0x1  }
0x10: {  	s9 =	sadd.s32 s10, s12;
	s10 =	sor.u32 $0x1C02, s31;
	s12 =	simm.s32 $0x2  }
.LBB2_1:
0x11: {  	[spmem:s11], [sflag:s10] =	dma.local [hbm:s9], $0x2800  }
0x12: {  	_ =	swait.ge [sflag:s12], $0x2800  }
0x13: {  	[sflag:s12] =	ssyncset.done $0x0  }
0x14: {  	[sflag:s12] =	ssyncadd.s32 $0xFFFFD800  }
0x15: {  	[tilespmem:s13], [sflag:$0x2] =	stream.linear.gather [hbm4b:s5+s3], $0x2780, $0x38;
	[tilespmem:$0x1D000] =	vst v63  }
0x16: {  	_ =	swait.ge [sflag:s12], $0x2780  }
0x17: {  	[sflag:s12] =	ssyncset.done $0x0  }
0x18: {  	[sflag:s12] =	ssyncadd.s32 $0xFFFFD880  }
0x19: {  	[tilespmem:s14], [sflag:$0x2] =	stream.linear.gather [hbm4b:s6+s3], $0x2780, $0x38;
	[tilespmem:$0x1D000] =	vst v63  }
0x1a: {  	_ =	swait.ge [sflag:s12], $0x2780  }
0x1b: {  	[sflag:s12] =	ssyncset.done $0x0  }
0x1c: {  	[sflag:s12] =	ssyncadd.s32 $0xFFFFD880  }
0x1d: {  	s19 =	simm.s32 $0x14000;
	[bflag:$0x0] =	sbarrier.arrive $0xFFFF  }
0x1e: {  	[tilespmem:s16], [sflag:$0x1] =	stream.indirect.gather [hbm4b:s4+s15], $0x80, s19, s15, $0xb8;
	[tilespmem:$0x1D000] =	vst v63  }
0x1f: {  	_ =	swait.ge [sflag:s17], $0x4000  }
0x20: {  	[sflag:s17] =	ssyncset.done $0x0  }
0x21: {  	s31 =	simm.s32 $0x16800;
	[sflag:s17] =	ssyncadd.s32 $0xFFFFC000  }
0x22: {  	[spmem:s1] =	stream.indirect.scatter.add.f32 [tilespmem:s16], [sflag:$0x2], $0x80, s31, s15, $0xb8;
	[tilespmem:$0x1D000] =	vst v63  }
0x23: {  	_ =	swait.ge [sflag:s12], $0x4000  }
0x24: {  	s20 =	simm.s32 $0x400;
	s19 =	simm.s32 $0x80;
	[sflag:s12] =	ssyncset.done $0x0  }
.LBB2_2:
0x25: {  	s21 =	sadd.s32 $0x14000, s19  }
0x26: {  	[sflag:s12] =	ssyncadd.s32 $0xFFFFC000;
	s22 =	smov.u32 s20;
	s23 =	sadd.s32 $0x200, s20  }
0x27: {  	[tilespmem:s16], [sflag:$0x1] =	stream.indirect.gather [hbm4b:s4+s15], $0x80, s21, s15, $0xb8;
	[tilespmem:$0x1D000] =	vst v63  }
0x28: {  	p0 =	sne.s32 s20, $0x9C00;
	_ =	swait.ge [sflag:s17], $0x4000  }
.Ltmp0:
0x29: {  	[sflag:s17] =	ssyncset.done $0x0;
	(pc) =	sbr.rel @p0 .LBB2_2-.Ltmp0, $4  }
0x2a: {  	s19 =	sadd.s32 $0x16800, s19;
	[sflag:s17] =	ssyncadd.s32 $0xFFFFC000  }
0x2b: {  	[spmem:s1] =	stream.indirect.scatter.add.f32 [tilespmem:s16], [sflag:$0x2], $0x80, s19, s15, $0xb8;
	[tilespmem:$0x1D000] =	vst v63  }
0x2c: {  	_ =	swait.ge [sflag:s12], $0x4000  }
0x2d: {  	s20 =	smov.u32 s23;
	s19 =	sshra.s32 s22, $0x2;
	[sflag:s12] =	ssyncset.done $0x0  }
0x2e: {  	s20 =	sadd.s32 $0x14000, s19;
	[sflag:s12] =	ssyncadd.s32 $0xFFFFC000  }
0x2f: {  	[tilespmem:s16], [sflag:$0x1] =	stream.indirect.gather [hbm4b:s4+s15], $0x80, s20, s15, $0xb8;
	[tilespmem:$0x1D000] =	vst v63  }
0x30: {  	_ =	swait.ge [sflag:s17], $0x4000  }
0x31: {  	[sflag:s17] =	ssyncset.done $0x0  }
0x32: {  	s31 =	sadd.s32 $0x16800, s19;
	[sflag:s17] =	ssyncadd.s32 $0xFFFFC000  }
0x33: {  	[spmem:s1] =	stream.indirect.scatter.add.f32 [tilespmem:s16], [sflag:$0x2], $0x80, s31, s15, $0xb8;
	[tilespmem:$0x1D000] =	vst v63  }
0x34: {  	_ =	swait.ge [sflag:s12], $0x4000  }
0x35: {  	s18 =	sadd.s32 $0x1, s18;
	[sflag:s12] =	ssyncset.done $0x0  }
0x36: {  	p0 =	sne.s32 s18, s8;
	[sflag:s12] =	ssyncadd.s32 $0xFFFFC000  }
.Ltmp1:
0x37: {  	[bflag:$0x0] =	sbarrier.arrive $0xFFFF;
	(pc) =	sbr.rel @p0 .LBB2_1-.Ltmp1, $4  }
0x38: {  	[hbm:s7], [sflag:s10] =	dma.local [spmem:s11], $0x2800  }
0x39: {  	_ =	swait.ge [sflag:s12], $0x2800  }
0x3a: {  	[sflag:s12] =	ssyncset.done $0x0  }
0x3b: {  	[sflag:s12] =	ssyncadd.s32 $0xFFFFD800  }
0x3c: {  	_ =	sfence.sel $0x180000  }
0x3d: {  	[bflag:$0x0] =	sbarrier.arrive $0xFFFF  }
0x3e: {  	p0 =	sne.s32 s2, $0x0;
	_ =	strace $0x9000004D  }
0x3f: {  	s0 =	sadd.s32 @!p0 $0x100000, s0;
	[bflag:$0x2] =	sbarrier.arrive $0xFFFF  }
0x40: {  	[sflag:s0] =	ssyncadd.tile.s32 @!p0 $0x1;
	_ =	shalt  }
.Lfunc_end2:
_tile_overlayer_lowered:
.L_overlay_start_2:
0x41: {  	(tag) =	ssettag $0x2  }
0x42: {  	s0 =	rddreg [dreg:$0x0];
	s2 =	stileid.u32  }
0x43: {  	s1 =	rddreg [dreg:$0x1];
	p0 =	sne.s32 s2, $0x0  }
0x44: {  	s3 =	rddreg [dreg:$0x2];
	[bflag:$0x3] =	sbarrier.arrive $0xFFFF;
	s2 =	simm.s32 @!p0 $0x1C02  }
0x45: {  	[timem:s3], [sflag:s2] =	dma.local @!p0 [hbm:s0], s1  }
0x46: {  	s0 =	simm.s32 @!p0 $0x2  }
0x47: {  	_ =	swait.ge @!p0 [sflag:s0], s1  }
0x48: {  	s1 =	ssub.s32 @!p0 $0x0, s1;
	[sflag:s0] =	ssyncset.done @!p0 $0x0  }
0x49: {  	[sflag:s0] =	ssyncadd.s32 @!p0 s1  }
0x4a: {  	[bflag:$0x3] =	sbarrier.arrive $0xFFFF  }
0x4b: {  	_ =	shalt  }

// kernel: kernel.20.cloned.1.call-start
scs
__scs_entry_jumppad:
0x0: {  	(pc) =	sbr.rel $0x88, $3  }
0x1: {  	(tag) =	ssettag $0x0;
	lr =	simm.s32 $0x1  }
0x2: {  	[smem:$0x3F93] =	sst lr;
	_ =	strace $0xD0000000  }
0x3: {  	_ = 	snop  }
0x4: {  	_ = 	snop  }
0x5: {  	_ = 	snop  }
0x6: {  	_ = 	snop  }
0x7: {  	_ = 	snop  }
__scs_overlays_trampoline_lowered:
0x8: {  	[smem:$0x3FA2] =	sst s0  }
0x9: {  	[smem:$0x3FA3] =	sst s1  }
0xa: {  	[smem:$0x3FA4] =	sst s2  }
0xb: {  	[smem:$0x3FA5] =	sst s3  }
0xc: {  	[smem:$0x3FA6] =	sst s4  }
0xd: {  	[smem:$0x3FA7] =	sst s5  }
0xe: {  	[smem:$0x3FA8] =	sst s6  }
0xf: {  	[smem:$0x3FA9] =	sst s7  }
0x10: {  	[smem:$0x3FAA] =	sst s8  }
0x11: {  	[smem:$0x3FAB] =	sst s9;
	s0 =	simm.s32 @!p0 $0x0  }
0x12: {  	s1 =	sld [smem:$0x3F91];
	s0 =	simm.s32 @p0 $0x1  }
0x13: {  	[smem:$0x3FAC] =	sst s0;
	s0 =	simm.s32 @!p1 $0x0  }
0x14: {  	s2 =	sld [smem:$0x3F90];
	s0 =	simm.s32 @p1 $0x1  }
0x15: {  	[smem:$0x3FAD] =	sst s0;
	s0 =	simm.s32 @!p2 $0x0  }
0x16: {  	s3 =	sld [smem:$0x3FDB];
	s0 =	simm.s32 @p2 $0x1  }
0x17: {  	s4 =	simm.s32 $0x1BF5;
	[smem:$0x3FAF] =	sst s0  }
0x18: {  	s0 =	sld [smem:$0x3F92];
	_ =	swait.ge [sflag:s4], $0x0  }
0x19: {  	s7 =	sld [smem:$0x3F93]  }
0x1a: {  	s8 =	sadd.s32 $0xFFFFE003, lr  }
0x1b: {  	s9 =	sadd.s32 $0xFFFFFEF7, lr;
	s5 =	simm.s32 $0xFFFFFFFF;
	p2 =	slt.u32 s8, $0xFFFFF086  }
0x1c: {  	p1 =	slt.u32 s9, $0xF7A;
	s5 =	simm.s32 @!p2 $0x0  }
0x1d: {  	s5 =	simm.s32 @p1 $0x1;
	p0 =	seq.s32 s7, s2  }
0x1e: {  	s7 =	smul.u32 @!p0 $0xF7A, s2;
	p2 =	seq.s32 @!p0 s5, $0x0  }
0x1f: {  	s9 =	smul.u32 $0xF7A, s1;
	s8 =	simm.s32 @!p0 $0x1BF5;
	p2 =	por !p2, p0  }
0x20: {  	[sflag:s8] =	ssyncset.s32 @!p0 $0xFFFFF086;
	s6 =	sadd.s32 @!p0 s3, s7;
	s7 =	simm.s32 @!p0 $0x108  }
0x21: {  	s3 =	sadd.s32 s3, s9;
	s6 =	sadd.s32 @!p0 $0x88, s6;
	s7 =	simm.s32 @p2 $0x1082  }
0x22: {  	[simem:s7], [sflag:s8] =	dma.local @!p0 [hbm:s6], $0xF7A  }
0x23: {  	s9 =	sor.u32 $0xD0000000, s2;
	s6 =	simm.s32 $0x108;
	_ =	swait.ge @!p0 [sflag:s8], $0x0  }
0x24: {  	s3 =	sadd.s32 $0x88, s3;
	s6 =	simm.s32 @!p1 $0x1082;
	[sflag:s4] =	ssyncset.s32 $0xFFFFF086  }
0x25: {  	[simem:s6], [sflag:s4] =	dma.local [hbm:s3], $0xF7A  }
0x26: {  	[smem:$0x3F93] =	sst s1;
	(tag) =	ssettag s2;
	_ =	strace s9  }
0x27: {  	s1 =	sld [smem:$0x3FA3]  }
0x28: {  	s2 =	sld [smem:$0x3FA4]  }
0x29: {  	s4 =	sld [smem:$0x3FA6]  }
0x2a: {  	p0 =	seq.s32 s5, $0x0;
	s5 =	sld [smem:$0x3FA7]  }
0x2b: {  	s6 =	sld [smem:$0x3FA8]  }
0x2c: {  	s7 =	sld [smem:$0x3FA9]  }
0x2d: {  	s3 =	simm.s32 $0x108;
	s8 =	sld [smem:$0x3FAA]  }
0x2e: {  	s3 =	simm.s32 @!p0 $0x1082;
	s9 =	sld [smem:$0x3FAB]  }
0x2f: {  	lr =	sadd.s32 s0, s3;
	s0 =	sld [smem:$0x3FA2]  }
0x30: {  	s3 =	sld [smem:$0x3FA5]  }
0x31: {  	[smem:$0x3FAE] =	sst s10  }
0x32: {  	s10 =	sld [smem:$0x3FAC];
	_ =	sdelay $0x3  }
0x33: {  	p0 =	seq.s32 s10, $0x1;
	s10 =	sld [smem:$0x3FAE];
	_ =	sdelay $0x3  }
0x34: {  	[smem:$0x3FAE] =	sst s10  }
0x35: {  	s10 =	sld [smem:$0x3FAD];
	_ =	sdelay $0x3  }
0x36: {  	p1 =	seq.s32 s10, $0x1;
	s10 =	sld [smem:$0x3FAE];
	_ =	sdelay $0x3  }
0x37: {  	[smem:$0x3FAE] =	sst s10  }
0x38: {  	s10 =	sld [smem:$0x3FAF]  }
0x39: {  	_ = 	snop;
	(pc) =	sbr.ind lr, $3  }
0x3a: {  	_ = 	snop  }
0x3b: {  	_ = 	snop  }
0x3c: {  	p2 =	seq.s32 s10, $0x1;
	s10 =	sld [smem:$0x3FAE]  }
0x3d: {  	_ =	shalt  }
0x3e: {  	_ =	shalt  }
0x3f: {  	_ =	shalt  }
0x40: {  	_ =	shalt  }
0x41: {  	_ =	shalt  }
0x42: {  	_ =	shalt  }
0x43: {  	_ =	shalt  }
0x44: {  	_ =	shalt  }
0x45: {  	_ =	shalt  }
0x46: {  	_ =	shalt  }
0x47: {  	_ =	shalt  }
0x48: {  	_ =	shalt  }
0x49: {  	_ =	shalt  }
0x4a: {  	_ =	shalt  }
0x4b: {  	_ =	shalt  }
0x4c: {  	_ =	shalt  }
0x4d: {  	_ =	shalt  }
0x4e: {  	_ =	shalt  }
0x4f: {  	_ =	shalt  }
0x50: {  	_ =	shalt  }
0x51: {  	_ =	shalt  }
0x52: {  	_ =	shalt  }
0x53: {  	_ =	shalt  }
0x54: {  	_ =	shalt  }
0x55: {  	_ =	shalt  }
0x56: {  	_ =	shalt  }
0x57: {  	_ =	shalt  }
0x58: {  	_ =	shalt  }
0x59: {  	_ =	shalt  }
0x5a: {  	_ =	shalt  }
0x5b: {  	_ =	shalt  }
0x5c: {  	_ =	shalt  }
0x5d: {  	_ =	shalt  }
0x5e: {  	_ =	shalt  }
0x5f: {  	_ =	shalt  }
0x60: {  	_ =	shalt  }
0x61: {  	_ =	shalt  }
0x62: {  	_ =	shalt  }
0x63: {  	_ =	shalt  }
0x64: {  	_ =	shalt  }
0x65: {  	_ =	shalt  }
0x66: {  	_ =	shalt  }
0x67: {  	_ =	shalt  }
0x68: {  	_ =	shalt  }
0x69: {  	_ =	shalt  }
0x6a: {  	_ =	shalt  }
0x6b: {  	_ =	shalt  }
0x6c: {  	_ =	shalt  }
0x6d: {  	_ =	shalt  }
0x6e: {  	_ =	shalt  }
0x6f: {  	_ =	shalt  }
0x70: {  	_ =	shalt  }
0x71: {  	_ =	shalt  }
0x72: {  	_ =	shalt  }
0x73: {  	_ =	shalt  }
0x74: {  	_ =	shalt  }
0x75: {  	_ =	shalt  }
0x76: {  	_ =	shalt  }
0x77: {  	_ =	shalt  }
0x78: {  	_ =	shalt  }
0x79: {  	_ =	shalt  }
0x7a: {  	_ =	shalt  }
0x7b: {  	_ =	shalt  }
0x7c: {  	_ =	shalt  }
0x7d: {  	_ =	shalt  }
0x7e: {  	_ =	shalt  }
0x7f: {  	_ =	shalt  }
0x80: {  	_ =	shalt  }
0x81: {  	_ =	shalt  }
0x82: {  	_ =	shalt  }
0x83: {  	_ =	shalt  }
0x84: {  	_ =	shalt  }
0x85: {  	_ =	shalt  }
0x86: {  	_ =	shalt  }
0x87: {  	_ =	shalt  }
.Lfunc_end0:
.L_simem_size_0:
called_computation.3_lowered:
.L_overlay_start_0:
0x88: {  	s2 =	sld [smem:$0x3FD9]  }
0x89: {  	s3 =	sld [smem:$0x3FFE];
	_ =	sdelay $0x1  }
0x8a: {  	s1 =	srdreg.scid  }
0x8b: {  	s0 =	sand.u32 $0x1, s1  }
0x8c: {  	s16 =	sshll.u32 s0, $0xA;
	s2 =	sadd.s32 s3, s2  }
0x8d: {  	s2 =	sadd.s32 s2, s16  }
0x8e: {  	[smem:$0x3FBA] =	sst s2  }
0x8f: {  	_ = 	snop  }
0x90: {  	(tm) =	ssettm $0x1  }
0x91: {  	s17 =	sld [smem:$0x3FFB];
	_ =	sdelay $0x3  }
0x92: {  	_ =	strace s17  }
0x93: {  	s2 =	sld [smem:$0x3FFC];
	_ =	sdelay $0x3  }
0x94: {  	_ =	strace s2  }
0x95: {  	s2 =	sld [smem:$0x3FFD];
	_ =	sdelay $0x3  }
0x96: {  	_ =	strace s2  }
0x97: {  	_ =	strace $0x8FFFFFFF  }
0x98: {  	s18 =	sld [smem:$0x3FDB];
	_ =	sdelay $0x1  }
0x99: {  	s19 =	simm.s32 $_scs_section_size  }
0x9a: {  	s4 =	simm.s32 $_size__tile_overlayer_lowered;
	s5 =	simm.s32 $_tile_overlayer_lowered  }
0x9b: {  	s22 =	simm.s32 $0x1BFF;
	s21 =	sshll.u32 s5, $0x1;
	s2 =	sadd.s32 s19, s18  }
0x9c: {  	s6 =	simm.s32 $0x0;
	s20 =	sshll.u32 s4, $0x1;
	s4 =	sadd.s32 s21, s2  }
0x9d: {  	[timem:s6], [sflag:s22] =	dma.local [hbm:s4], s20  }
0x9e: {  	_ =	swait.ge [sflag:s22], s20  }
0x9f: {  	s3 =	ssub.s32 $0x0, s20;
	[sflag:s22] =	ssyncset.done $0x0  }
0xa0: {  	[sflag:s22] =	ssyncadd.s32 s3;
	_ =	sdelay $0x1  }
0xa1: {  	s23 =	simm.s32 $0x1B8B  }
0xa2: {  	_ =	swait.ge [sflag:s23], $0x1  }
0xa3: {  	[sflag:s23] =	ssyncset.done $0x0  }
0xa4: {  	s25 =	simm.s32 $0x1B8E;
	s24 =	sld [smem:$0x3FFE];
	[sflag:s23] =	ssyncadd.s32 $0xFFFFFFFF  }
0xa5: {  	s26 =	simm.s32 $execute0_lowered;
	[smem:$0x3FD2] =	sst s25  }
0xa6: {  	s4 =	sshll.u32 s26, $0x1;
	_ =	strace $0x8000004F;
	[dreg:$0x1] =	wrdreg $0xFFFFFFFF  }
0xa7: {  	s28 =	simm.s32 $_size_execute0_lowered;
	s2 =	sadd.s32 s2, s4;
	[dreg:$0x0] =	wrdreg $0x0  }
0xa8: {  	s4 =	sshll.u32 s28, $0x1;
	[dreg:$0x2] =	wrdreg s2  }
0xa9: {  	[dreg:$0x3] =	wrdreg s4  }
0xaa: {  	[dreg:$0x4] =	wrdreg $0xC0  }
0xab: {  	_ =	task [dreg:s6], $0x5FFFF  }
0xac: {  	[dreg:$0x1] =	wrdreg $0xFFFFFFFF  }
0xad: {  	[dreg:$0x0] =	wrdreg $0x60  }
0xae: {  	[dreg:$0x2] =	wrdreg s24  }
0xaf: {  	[dreg:$0x3] =	wrdreg $0x0  }
0xb0: {  	[dreg:$0x4] =	wrdreg $0x9  }
0xb1: {  	_ =	task.clear_ibuf [dreg:s6], $0x5FFFF;
	_ =	strace $0x9000004F  }
0xb2: {  	s29 =	simm.s32 $0x9;
	_ =	strace $0x80000051  }
0xb3: {  	_ =	swait.ge [sflag:s29], $0x1  }
0xb4: {  	[sflag:s29] =	ssyncadd.s32 $0xFFFFFFFF  }
0xb5: {  	_ =	strace $0x90000051  }
0xb6: {  	_ =	sfence  }
0xb7: {  	s30 =	sld [smem:$0x0];
	_ =	sdelay $0x2  }
0xb8: {  	s31 =	sshll.u32 s1, $0xD;
	s1 =	sshrl.u32 s1, $0x2  }
0xb9: {  	s3 =	sand.u32 $0x4000, s31;
	s1 =	sadd.s32 s1, s30  }
0xba: {  	s0 =	sor.u32 s3, s0;
	s1 =	sshll.u32 s1, $0x11  }
0xbb: {  	s0 =	sor.u32 s1, s0  }
0xbc: {  	s0 =	sadd.s32 $0x8F2B, s0  }
0xbd: {  	[sflag:s0] =	ssyncadd.remote.s32 $0x1  }
0xbe: {  	_ =	sfence.sel $0xFFFF  }
0xbf: {  	[dreg:$0x0] =	wrdreg $0xFFFFFFFF;
	(pc) =	sbr.abs _section_cstart, $3  }
0xc0: {  	[dreg:$0x1] =	wrdreg $0xFFFFFFFF  }
0xc1: {  	_ =	task.clear_ibuf [dreg:s6], $0x2FFFF;
	_ =	strace $0x9FFFFFFF  }
0xc2: {  	(tm) =	ssettm $0x7FFFFFFF  }
0xc3: {  	_ =	shalt  }
tec
execute0_lowered:
.L_overlay_start_1:
0x0: {  	(tag) =	ssettag $0x1  }
0x1: {  	s5 =	rddreg [dreg:$0x0]  }
0x2: {  	s1 =	rddreg [dreg:$0x1]  }
0x3: {  	s2 =	srdreg.scid;
	s0 =	rddreg [dreg:$0x2];
	s3 =	simm.s32 $0x0  }
0x4: {  	s13 =	simm.s32 $0x14000;
	s14 =	simm.s32 $0x16800;
	s15 =	simm.s32 $0x80  }
0x5: {  	s16 =	simm.s32 $0x19000;
	s17 =	simm.s32 $0x1;
	s18 =	simm.s32 $0x0  }
0x6: {  	s6 =	sand.u32 $0x1, s2;
	s2 =	stileid.u32;
	[smem:$0x7FF] =	sst s3  }
0x7: {  	s4 =	sadd.s32 $0xD400, s5;
	s10 =	sadd.s32 $0x35400, s5;
	s7 =	smul.u32 $0x140000, s6  }
0x8: {  	s8 =	sshll.u32 s2, $0x1;
	s9 =	smul.u32 $0x14000, s2;
	_ =	strace $0x80000050  }
0x9: {  	s28 =	ssub.s32 $0x2, s6;
	s11 =	smul.u32 $0x50000, s2;
	p0 =	seq.s32 s6, $0x0  }
0xa: {  	s12 =	smul.u32 $0x2800, s2;
	s31 =	sshll.u32 s2, $0x6;
	s8 =	sor.u32 s6, s8  }
0xb: {  	s29 =	sshrl.u32 s28, $0x1;
	s10 =	smov.u32 @p0 s4;
	s8 =	smul.u32 $0x500, s8  }
0xc: {  	s7 =	sadd.s32 s9, s7;
	s9 =	ssub.s32 s28, s29;
	s30 =	sshrl.u32 s11, $0x2  }
0xd: {  	s7 =	sshrl.u32 s7, $0x3;
	s11 =	sadd.s32 s30, s1;
	s8 =	sadd.s32 s8, s5  }
0xe: {  	s7 =	sadd.s32 s7, s5;
	s11 =	sshrl.u32 s11, $0x3;
	s5 =	sadd.s32 $0xAD400, s8  }
0xf: {  	s6 =	sadd.s32 $0x3400, s8;
	s7 =	sadd.s32 $0xB7400, s7;
	s8 =	smax.u32 s9, $0x1  }
0x10: {  	s9 =	sadd.s32 s10, s12;
	s10 =	sor.u32 $0x1C02, s31;
	s12 =	simm.s32 $0x2  }
.LBB2_1:
0x11: {  	[spmem:s11], [sflag:s10] =	dma.local [hbm:s9], $0x2800  }
0x12: {  	_ =	swait.ge [sflag:s12], $0x2800  }
0x13: {  	[sflag:s12] =	ssyncset.done $0x0  }
0x14: {  	[sflag:s12] =	ssyncadd.s32 $0xFFFFD800  }
0x15: {  	[tilespmem:s13], [sflag:$0x2] =	stream.linear.gather [hbm4b:s5+s3], $0x2780, $0x38;
	[tilespmem:$0x1D000] =	vst v63  }
0x16: {  	_ =	swait.ge [sflag:s12], $0x2780  }
0x17: {  	[sflag:s12] =	ssyncset.done $0x0  }
0x18: {  	[sflag:s12] =	ssyncadd.s32 $0xFFFFD880  }
0x19: {  	[tilespmem:s14], [sflag:$0x2] =	stream.linear.gather [hbm4b:s6+s3], $0x2780, $0x38;
	[tilespmem:$0x1D000] =	vst v63  }
0x1a: {  	_ =	swait.ge [sflag:s12], $0x2780  }
0x1b: {  	[sflag:s12] =	ssyncset.done $0x0  }
0x1c: {  	[sflag:s12] =	ssyncadd.s32 $0xFFFFD880  }
0x1d: {  	s19 =	simm.s32 $0x14000;
	[bflag:$0x0] =	sbarrier.arrive $0xFFFF  }
0x1e: {  	[tilespmem:s16], [sflag:$0x1] =	stream.indirect.gather [hbm4b:s4+s15], $0x80, s19, s15, $0xb8;
	[tilespmem:$0x1D000] =	vst v63  }
0x1f: {  	_ =	swait.ge [sflag:s17], $0x4000  }
0x20: {  	[sflag:s17] =	ssyncset.done $0x0  }
0x21: {  	s31 =	simm.s32 $0x16800;
	[sflag:s17] =	ssyncadd.s32 $0xFFFFC000  }
0x22: {  	[spmem:s1] =	stream.indirect.scatter.add.f32 [tilespmem:s16], [sflag:$0x2], $0x80, s31, s15, $0xb8;
	[tilespmem:$0x1D000] =	vst v63  }
0x23: {  	_ =	swait.ge [sflag:s12], $0x4000  }
0x24: {  	s20 =	simm.s32 $0x400;
	s19 =	simm.s32 $0x80;
	[sflag:s12] =	ssyncset.done $0x0  }
.LBB2_2:
0x25: {  	s21 =	sadd.s32 $0x14000, s19  }
0x26: {  	[sflag:s12] =	ssyncadd.s32 $0xFFFFC000;
	s22 =	smov.u32 s20;
	s23 =	sadd.s32 $0x200, s20  }
0x27: {  	[tilespmem:s16], [sflag:$0x1] =	stream.indirect.gather [hbm4b:s4+s15], $0x80, s21, s15, $0xb8;
	[tilespmem:$0x1D000] =	vst v63  }
0x28: {  	p0 =	sne.s32 s20, $0x9C00;
	_ =	swait.ge [sflag:s17], $0x4000  }
.Ltmp0:
0x29: {  	[sflag:s17] =	ssyncset.done $0x0;
	(pc) =	sbr.rel @p0 .LBB2_2-.Ltmp0, $4  }
0x2a: {  	s19 =	sadd.s32 $0x16800, s19;
	[sflag:s17] =	ssyncadd.s32 $0xFFFFC000  }
0x2b: {  	[spmem:s1] =	stream.indirect.scatter.add.f32 [tilespmem:s16], [sflag:$0x2], $0x80, s19, s15, $0xb8;
	[tilespmem:$0x1D000] =	vst v63  }
0x2c: {  	_ =	swait.ge [sflag:s12], $0x4000  }
0x2d: {  	s20 =	smov.u32 s23;
	s19 =	sshra.s32 s22, $0x2;
	[sflag:s12] =	ssyncset.done $0x0  }
0x2e: {  	s20 =	sadd.s32 $0x14000, s19;
	[sflag:s12] =	ssyncadd.s32 $0xFFFFC000  }
0x2f: {  	[tilespmem:s16], [sflag:$0x1] =	stream.indirect.gather [hbm4b:s4+s15], $0x80, s20, s15, $0xb8;
	[tilespmem:$0x1D000] =	vst v63  }
0x30: {  	_ =	swait.ge [sflag:s17], $0x4000  }
0x31: {  	[sflag:s17] =	ssyncset.done $0x0  }
0x32: {  	s31 =	sadd.s32 $0x16800, s19;
	[sflag:s17] =	ssyncadd.s32 $0xFFFFC000  }
0x33: {  	[spmem:s1] =	stream.indirect.scatter.add.f32 [tilespmem:s16], [sflag:$0x2], $0x80, s31, s15, $0xb8;
	[tilespmem:$0x1D000] =	vst v63  }
0x34: {  	_ =	swait.ge [sflag:s12], $0x4000  }
0x35: {  	s18 =	sadd.s32 $0x1, s18;
	[sflag:s12] =	ssyncset.done $0x0  }
0x36: {  	p0 =	sne.s32 s18, s8;
	[sflag:s12] =	ssyncadd.s32 $0xFFFFC000  }
.Ltmp1:
0x37: {  	[bflag:$0x0] =	sbarrier.arrive $0xFFFF;
	(pc) =	sbr.rel @p0 .LBB2_1-.Ltmp1, $4  }
0x38: {  	[hbm:s7], [sflag:s10] =	dma.local [spmem:s11], $0x2800  }
0x39: {  	_ =	swait.ge [sflag:s12], $0x2800  }
0x3a: {  	[sflag:s12] =	ssyncset.done $0x0  }
0x3b: {  	[sflag:s12] =	ssyncadd.s32 $0xFFFFD800  }
0x3c: {  	_ =	sfence.sel $0x180000  }
0x3d: {  	[bflag:$0x0] =	sbarrier.arrive $0xFFFF  }
0x3e: {  	p0 =	sne.s32 s2, $0x0;
	_ =	strace $0x90000050  }
0x3f: {  	s0 =	sadd.s32 @!p0 $0x100000, s0;
	[bflag:$0x2] =	sbarrier.arrive $0xFFFF  }
0x40: {  	[sflag:s0] =	ssyncadd.tile.s32 @!p0 $0x1;
	_ =	shalt  }
.Lfunc_end2:
_tile_overlayer_lowered:
.L_overlay_start_2:
0x41: {  	(tag) =	ssettag $0x2  }
0x42: {  	s0 =	rddreg [dreg:$0x0];
	s2 =	stileid.u32  }
0x43: {  	s1 =	rddreg [dreg:$0x1];
	p0 =	sne.s32 s2, $0x0  }
0x44: {  	s3 =	rddreg [dreg:$0x2];
	[bflag:$0x3] =	sbarrier.arrive $0xFFFF;
	s2 =	simm.s32 @!p0 $0x1C02  }
0x45: {  	[timem:s3], [sflag:s2] =	dma.local @!p0 [hbm:s0], s1  }
0x46: {  	s0 =	simm.s32 @!p0 $0x2  }
0x47: {  	_ =	swait.ge @!p0 [sflag:s0], s1  }
0x48: {  	s1 =	ssub.s32 @!p0 $0x0, s1;
	[sflag:s0] =	ssyncset.done @!p0 $0x0  }
0x49: {  	[sflag:s0] =	ssyncadd.s32 @!p0 s1  }
0x4a: {  	[bflag:$0x3] =	sbarrier.arrive $0xFFFF  }
0x4b: {  	_ =	shalt  }

</sc_bundles>
